<compile_context>
chip_gen: v7x
topology: tpu7x:2x2x1
jax: 0.10.2.dev20260603
libtpu: 0.0.44.dev20260713+nightly
codegen_flags: <defaults>
</compile_context>

<pallas_src>
import functools

import jax
import jax.numpy as jnp
from jax import lax
from jax.experimental import pallas as pl
from jax.experimental.pallas import tpu as pltpu
from jax.experimental.pallas import tpu_sc as plsc

_N_BINS = 512
_N_DIFFS = 16384
_NC, _NS, _L = 2, 16, 16
_NW = _NC * _NS
_ROWS = _N_DIFFS // _NW
_STEPS = _ROWS // _L
_TSTEPS = _N_BINS // _L

_LN2 = 0.6931471805599453


def _ln(r):
    bits = plsc.bitcast(r, jnp.int32)
    e = (bits >> 23) - 127
    m = plsc.bitcast((bits & 0x007FFFFF) | 0x3F800000, jnp.float32)
    z = (m - 1.0) / (m + 1.0)
    z2 = z * z
    p = 1.0 / 9.0
    p = p * z2 + 1.0 / 7.0
    p = p * z2 + 1.0 / 5.0
    p = p * z2 + 1.0 / 3.0
    p = p * z2 + 1.0
    return 2.0 * z * p + e.astype(jnp.float32) * _LN2


@functools.partial(
    pl.kernel,
    out_type=jax.ShapeDtypeStruct((_N_DIFFS,), jnp.float32),
    mesh=plsc.VectorSubcoreMesh(core_axis_name="c", subcore_axis_name="s"),
    compiler_params=pltpu.CompilerParams(needs_layout_passes=False),
    scratch_types=[
        pltpu.VMEM((_N_BINS,), jnp.float32),
        pltpu.VMEM((112,), jnp.float32),
        pltpu.VMEM((3 * _N_BINS,), jnp.float32),
        pltpu.VMEM((3 * _ROWS,), jnp.int32),
        pltpu.VMEM((_ROWS,), jnp.float32),
        pltpu.VMEM_SHARED((3 * _N_BINS,), jnp.float32),
        pltpu.SemaphoreType.DMA,
        pltpu.SemaphoreType.DMA,
        pltpu.SemaphoreType.DMA,
        pltpu.SemaphoreType.DMA,
        pltpu.SemaphoreType.DMA,
        pltpu.SemaphoreType.DMA,
        pltpu.SemaphoreType.DMA,
        pltpu.SemaphoreType.DMA,
    ],
)
def _sc_model(bc_hbm, l1, u1, l2, u2, l3, u3, idx_hbm, out_hbm,
              bc_v, scal_v, tab_v, idx_v, out_v, tab_sh, sem_b, sem_i,
              sem_p0, sem_p1, sem_p2, sem_p3, sem_p4, sem_p5):
    sid = lax.axis_index("s")
    wid = sid * _NC + lax.axis_index("c")
    base = wid * _ROWS
    cp_i = pltpu.async_copy(idx_hbm.at[pl.ds(3 * base, 3 * _ROWS)], idx_v, sem_i)

    @pl.when(sid == 0)
    def _build():
        cp_b = pltpu.async_copy(bc_hbm, bc_v, sem_b)
        sems = (sem_p0, sem_p1, sem_p2, sem_p3, sem_p4, sem_p5)
        cps = [
            pltpu.async_copy(p_hbm, scal_v.at[pl.ds(16 * (k + 1), 1)], sems[k])
            for k, p_hbm in enumerate((l1, u1, l2, u2, l3, u3))
        ]
        cp_b.wait()
        for cp in cps:
            cp.wait()

        ubs, invs = [], []
        for j in range(3):
            vl = plsc.load_gather(scal_v, [jnp.full((_L,), 32 * j + 16, jnp.int32)])
            vu = plsc.load_gather(scal_v, [jnp.full((_L,), 32 * j + 32, jnp.int32)])
            lo = jnp.minimum(vl, vu)
            hi = jnp.maximum(vl, vu)
            ubs.append(hi)
            invs.append(1.0 / (hi - lo + 0.0001))

        @plsc.parallel_loop(0, _TSTEPS, step=1, unroll=4)
        def tbody(k):
            t = bc_v[pl.ds(_L * k, _L)]
            logit = _ln(t / (1.0 - t))
            for j in range(3):
                x = (ubs[j] - logit) * invs[j]
                tab_v[pl.ds(j * _N_BINS + _L * k, _L)] = 1.0 / (1.0 + jnp.exp(-x))

        pltpu.sync_copy(tab_v, tab_sh)

    plsc.subcore_barrier()

    @pl.when(sid != 0)
    def _fetch():
        pltpu.sync_copy(tab_sh, tab_v)

    cp_i.wait()
    lanes3 = lax.iota(jnp.int32, _L) * 3

    def gbody(i):
        p = None
        for j in range(3):
            bidx = plsc.load_gather(idx_v, [lanes3 + (i * (3 * _L) + j)])
            pj = plsc.load_gather(tab_v, [bidx + (j * _N_BINS)])
            p = pj if p is None else p * pj
        out_v[pl.ds(i * _L, _L)] = p

    plsc.parallel_loop(0, _STEPS, step=1, unroll=4)(gbody)
    pltpu.sync_copy(out_v, out_hbm.at[pl.ds(base, _ROWS)])


def kernel(bin_centers, observation_probability_index, operator_number,
           lower_bound_1, upper_bound_1, lower_bound_2, upper_bound_2,
           lower_bound_3, upper_bound_3):
    del operator_number
    return _sc_model(bin_centers, lower_bound_1, upper_bound_1,
                     lower_bound_2, upper_bound_2, lower_bound_3,
                     upper_bound_3, observation_probability_index.reshape(-1))

# --- scband reference (transcript-rebuilt; emitter-appended) ---
"""Pipeline reference for scband-performance-model-39840116638520 (READ-ONLY COPY).

The authoritative reference and input builder live on the scoring server;
editing this copy changes nothing except your own understanding.
"""

import jax, jax.numpy as jnp
import numpy as np

N_BINS = 512
N_DIFFS = 16384


def setup_inputs(seed: int = 0) -> dict:
    key = jax.random.key(seed)
    k1, k2 = jax.random.split(key)
    # bin_centers are probabilities strictly inside (0, 1) since forward computes log(t/(1-t))
    bin_centers = jax.random.uniform(k1, (N_BINS,), dtype=jnp.float32, minval=1e-4, maxval=1.0 - 1e-4)
    observation_probability_index = jax.random.randint(k2, (N_DIFFS, 3), 0, N_BINS, dtype=jnp.int32)
    # Learned per-operator parameters (operator_number=2, even -> local operator),
    # initialized exactly as in the torch module: lower=-10, upper=+10, shape (1,)
    params = {
        'lower_bound_1': jnp.full((1,), -10.0, dtype=jnp.float32),
        'upper_bound_1': jnp.full((1,), 10.0, dtype=jnp.float32),
        'lower_bound_2': jnp.full((1,), -10.0, dtype=jnp.float32),
        'upper_bound_2': jnp.full((1,), 10.0, dtype=jnp.float32),
        'lower_bound_3': jnp.full((1,), -10.0, dtype=jnp.float32),
        'upper_bound_3': jnp.full((1,), 10.0, dtype=jnp.float32),
    }
    out = {
        'bin_centers': bin_centers,
        'observation_probability_index': observation_probability_index,
        'operator_number': 2,
    }
    out.update(params)
    return out


def reference(bin_centers, observation_probability_index, operator_number,
              lower_bound_1, upper_bound_1, lower_bound_2, upper_bound_2,
              lower_bound_3, upper_bound_3):
    # get_parameters() side effect: swap each (lower, upper) pair if lower > upper.
    # calculate_performance then reads the (possibly swapped) raw params.
    lb1 = jnp.minimum(lower_bound_1, upper_bound_1)
    ub1 = jnp.maximum(lower_bound_1, upper_bound_1)
    lb2 = jnp.minimum(lower_bound_2, upper_bound_2)
    ub2 = jnp.maximum(lower_bound_2, upper_bound_2)
    lb3 = jnp.minimum(lower_bound_3, upper_bound_3)
    ub3 = jnp.maximum(lower_bound_3, upper_bound_3)

    # Vectorized gather of the three bin centers per observation (embedding-style lookup)
    t1 = jnp.take(bin_centers, observation_probability_index[:, 0], axis=0)
    t2 = jnp.take(bin_centers, observation_probability_index[:, 1], axis=0)
    t3 = jnp.take(bin_centers, observation_probability_index[:, 2], axis=0)

    # torch uses math.log(task_requirement / (1 - task_requirement)) which detaches from autograd
    logit1 = jax.lax.stop_gradient(jnp.log(t1 / (1.0 - t1)))
    logit2 = jax.lax.stop_gradient(jnp.log(t2 / (1.0 - t2)))
    logit3 = jax.lax.stop_gradient(jnp.log(t3 / (1.0 - t3)))

    p1 = jax.nn.sigmoid((ub1 - logit1) / (ub1 - lb1 + 0.0001))
    p2 = jax.nn.sigmoid((ub2 - logit2) / (ub2 - lb2 + 0.0001))
    p3 = jax.nn.sigmoid((ub3 - logit3) / (ub3 - lb3 + 0.0001))

    performance = p1 * p2 * p3
    return performance

if __name__ == "__main__":
    import jax
    _d = setup_inputs()
    print(jax.jit(kernel)(*tuple(_d.values())))

</pallas_src>

<mosaic_0001>
#map = affine_map<(d0, d1) -> (0)>
module attributes {stable_mosaic.version = 14 : i64} {
  func.func @_sc_model(%arg0: i32, %arg1: i32, %arg2: memref<512xf32, #tpu.memory_space<hbm>>, %arg3: memref<1xf32, #tpu.memory_space<hbm>>, %arg4: memref<1xf32, #tpu.memory_space<hbm>>, %arg5: memref<1xf32, #tpu.memory_space<hbm>>, %arg6: memref<1xf32, #tpu.memory_space<hbm>>, %arg7: memref<1xf32, #tpu.memory_space<hbm>>, %arg8: memref<1xf32, #tpu.memory_space<hbm>>, %arg9: memref<49152xi32, #tpu.memory_space<hbm>>, %arg10: memref<16384xf32, #tpu.memory_space<hbm>>, %arg11: memref<512xf32, #tpu.memory_space<vmem>>, %arg12: memref<112xf32, #tpu.memory_space<vmem>>, %arg13: memref<1536xf32, #tpu.memory_space<vmem>>, %arg14: memref<1536xi32, #tpu.memory_space<vmem>>, %arg15: memref<512xf32, #tpu.memory_space<vmem>>, %arg16: memref<1536xf32, #tpu.memory_space<vmem_shared>>, %arg17: memref<!tpu.dma_semaphore, #tpu.memory_space<semaphore_mem>>, %arg18: memref<!tpu.dma_semaphore, #tpu.memory_space<semaphore_mem>>, %arg19: memref<!tpu.dma_semaphore, #tpu.memory_space<semaphore_mem>>, %arg20: memref<!tpu.dma_semaphore, #tpu.memory_space<semaphore_mem>>, %arg21: memref<!tpu.dma_semaphore, #tpu.memory_space<semaphore_mem>>, %arg22: memref<!tpu.dma_semaphore, #tpu.memory_space<semaphore_mem>>, %arg23: memref<!tpu.dma_semaphore, #tpu.memory_space<semaphore_mem>>, %arg24: memref<!tpu.dma_semaphore, #tpu.memory_space<semaphore_mem>>) attributes {dimension_semantics = [#tpu.dimension_semantics<core_parallel>, #tpu.dimension_semantics<subcore_parallel>], iteration_bounds = array<i64: 2, 16>, scalar_prefetch = 0 : i64, scratch_operands = 14 : i64, tpu.core_type = #tpu.core_type<sc_vector_subcore>, window_params = [{transform_indices = #map}, {transform_indices = #map}, {transform_indices = #map}, {transform_indices = #map}, {transform_indices = #map}, {transform_indices = #map}, {transform_indices = #map}, {transform_indices = #map}, {transform_indices = #map}]} {
    %mul3A = arith.constant 2 : i32
    %mul3A_0 = arith.muli %arg1, %mul3A : i32
    %add3A = arith.addi %mul3A_0, %arg0 : i32
    %mul3A_1 = arith.constant 512 : i32
    %mul3A_2 = arith.muli %add3A, %mul3A_1 : i32
    %mul3A_3 = arith.constant 3 : i32
    %mul3A_4 = arith.muli %mul3A_3, %mul3A_2 : i32
    %dma_start3A = tpu.memref_slice %arg9[%mul3A_4] : memref<49152xi32, #tpu.memory_space<hbm>> -> memref<1536xi32, #tpu.memory_space<hbm>>
    %dma_start3A_5 = tpu.memref_slice %arg9[%mul3A_4] : memref<49152xi32, #tpu.memory_space<hbm>> -> memref<1536xi32, #tpu.memory_space<hbm>>
    tpu.enqueue_dma source(%dma_start3A_5 : memref<1536xi32, #tpu.memory_space<hbm>>) target(%arg14 : memref<1536xi32, #tpu.memory_space<vmem>>) target_semaphore(%arg18 : memref<!tpu.dma_semaphore, #tpu.memory_space<semaphore_mem>>)
    %eq3A = arith.constant 0 : i32
    %eq3A_6 = arith.cmpi eq, %arg1, %eq3A : i32
    %convert_element_type3A = arith.extui %eq3A_6 : i1 to i32
    %cond3A = arith.constant 0 : i32
    %cond3A_7 = arith.cmpi ne, %convert_element_type3A, %cond3A : i32
    scf.if %cond3A_7 {
      tpu.enqueue_dma source(%arg2 : memref<512xf32, #tpu.memory_space<hbm>>) target(%arg11 : memref<512xf32, #tpu.memory_space<vmem>>) target_semaphore(%arg17 : memref<!tpu.dma_semaphore, #tpu.memory_space<semaphore_mem>>)
      %dma_start3A_18 = arith.constant 16 : i32
      %dma_start3A_19 = tpu.memref_slice %arg12[%dma_start3A_18] : memref<112xf32, #tpu.memory_space<vmem>> -> memref<1xf32, #tpu.memory_space<vmem>>
      %dma_start3A_20 = arith.constant 16 : i32
      %dma_start3A_21 = tpu.memref_slice %arg12[%dma_start3A_20] : memref<112xf32, #tpu.memory_space<vmem>> -> memref<1xf32, #tpu.memory_space<vmem>>
      tpu.enqueue_dma source(%arg3 : memref<1xf32, #tpu.memory_space<hbm>>) target(%dma_start3A_21 : memref<1xf32, #tpu.memory_space<vmem>>) target_semaphore(%arg19 : memref<!tpu.dma_semaphore, #tpu.memory_space<semaphore_mem>>)
      %dma_start3A_22 = arith.constant 32 : i32
      %dma_start3A_23 = tpu.memref_slice %arg12[%dma_start3A_22] : memref<112xf32, #tpu.memory_space<vmem>> -> memref<1xf32, #tpu.memory_space<vmem>>
      %dma_start3A_24 = arith.constant 32 : i32
      %dma_start3A_25 = tpu.memref_slice %arg12[%dma_start3A_24] : memref<112xf32, #tpu.memory_space<vmem>> -> memref<1xf32, #tpu.memory_space<vmem>>
      tpu.enqueue_dma source(%arg4 : memref<1xf32, #tpu.memory_space<hbm>>) target(%dma_start3A_25 : memref<1xf32, #tpu.memory_space<vmem>>) target_semaphore(%arg20 : memref<!tpu.dma_semaphore, #tpu.memory_space<semaphore_mem>>)
      %dma_start3A_26 = arith.constant 48 : i32
      %dma_start3A_27 = tpu.memref_slice %arg12[%dma_start3A_26] : memref<112xf32, #tpu.memory_space<vmem>> -> memref<1xf32, #tpu.memory_space<vmem>>
      %dma_start3A_28 = arith.constant 48 : i32
      %dma_start3A_29 = tpu.memref_slice %arg12[%dma_start3A_28] : memref<112xf32, #tpu.memory_space<vmem>> -> memref<1xf32, #tpu.memory_space<vmem>>
      tpu.enqueue_dma source(%arg5 : memref<1xf32, #tpu.memory_space<hbm>>) target(%dma_start3A_29 : memref<1xf32, #tpu.memory_space<vmem>>) target_semaphore(%arg21 : memref<!tpu.dma_semaphore, #tpu.memory_space<semaphore_mem>>)
      %dma_start3A_30 = arith.constant 64 : i32
      %dma_start3A_31 = tpu.memref_slice %arg12[%dma_start3A_30] : memref<112xf32, #tpu.memory_space<vmem>> -> memref<1xf32, #tpu.memory_space<vmem>>
      %dma_start3A_32 = arith.constant 64 : i32
      %dma_start3A_33 = tpu.memref_slice %arg12[%dma_start3A_32] : memref<112xf32, #tpu.memory_space<vmem>> -> memref<1xf32, #tpu.memory_space<vmem>>
      tpu.enqueue_dma source(%arg6 : memref<1xf32, #tpu.memory_space<hbm>>) target(%dma_start3A_33 : memref<1xf32, #tpu.memory_space<vmem>>) target_semaphore(%arg22 : memref<!tpu.dma_semaphore, #tpu.memory_space<semaphore_mem>>)
      %dma_start3A_34 = arith.constant 80 : i32
      %dma_start3A_35 = tpu.memref_slice %arg12[%dma_start3A_34] : memref<112xf32, #tpu.memory_space<vmem>> -> memref<1xf32, #tpu.memory_space<vmem>>
      %dma_start3A_36 = arith.constant 80 : i32
      %dma_start3A_37 = tpu.memref_slice %arg12[%dma_start3A_36] : memref<112xf32, #tpu.memory_space<vmem>> -> memref<1xf32, #tpu.memory_space<vmem>>
      tpu.enqueue_dma source(%arg7 : memref<1xf32, #tpu.memory_space<hbm>>) target(%dma_start3A_37 : memref<1xf32, #tpu.memory_space<vmem>>) target_semaphore(%arg23 : memref<!tpu.dma_semaphore, #tpu.memory_space<semaphore_mem>>)
      %dma_start3A_38 = arith.constant 96 : i32
      %dma_start3A_39 = tpu.memref_slice %arg12[%dma_start3A_38] : memref<112xf32, #tpu.memory_space<vmem>> -> memref<1xf32, #tpu.memory_space<vmem>>
      %dma_start3A_40 = arith.constant 96 : i32
      %dma_start3A_41 = tpu.memref_slice %arg12[%dma_start3A_40] : memref<112xf32, #tpu.memory_space<vmem>> -> memref<1xf32, #tpu.memory_space<vmem>>
      tpu.enqueue_dma source(%arg8 : memref<1xf32, #tpu.memory_space<hbm>>) target(%dma_start3A_41 : memref<1xf32, #tpu.memory_space<vmem>>) target_semaphore(%arg24 : memref<!tpu.dma_semaphore, #tpu.memory_space<semaphore_mem>>)
      tpu.wait_dma2 semaphore(%arg17 : memref<!tpu.dma_semaphore, #tpu.memory_space<semaphore_mem>>) src(%arg2 : memref<512xf32, #tpu.memory_space<hbm>>) dst(%arg11 : memref<512xf32, #tpu.memory_space<vmem>>)
      %dma_wait3A_42 = arith.constant 16 : i32
      %dma_wait3A_43 = tpu.memref_slice %arg12[%dma_wait3A_42] : memref<112xf32, #tpu.memory_space<vmem>> -> memref<1xf32, #tpu.memory_space<vmem>>
      %dma_wait3A_44 = arith.constant 16 : i32
      %dma_wait3A_45 = tpu.memref_slice %arg12[%dma_wait3A_44] : memref<112xf32, #tpu.memory_space<vmem>> -> memref<1xf32, #tpu.memory_space<vmem>>
      tpu.wait_dma2 semaphore(%arg19 : memref<!tpu.dma_semaphore, #tpu.memory_space<semaphore_mem>>) src(%arg3 : memref<1xf32, #tpu.memory_space<hbm>>) dst(%dma_wait3A_45 : memref<1xf32, #tpu.memory_space<vmem>>)
      %dma_wait3A_46 = arith.constant 32 : i32
      %dma_wait3A_47 = tpu.memref_slice %arg12[%dma_wait3A_46] : memref<112xf32, #tpu.memory_space<vmem>> -> memref<1xf32, #tpu.memory_space<vmem>>
      %dma_wait3A_48 = arith.constant 32 : i32
      %dma_wait3A_49 = tpu.memref_slice %arg12[%dma_wait3A_48] : memref<112xf32, #tpu.memory_space<vmem>> -> memref<1xf32, #tpu.memory_space<vmem>>
      tpu.wait_dma2 semaphore(%arg20 : memref<!tpu.dma_semaphore, #tpu.memory_space<semaphore_mem>>) src(%arg4 : memref<1xf32, #tpu.memory_space<hbm>>) dst(%dma_wait3A_49 : memref<1xf32, #tpu.memory_space<vmem>>)
      %dma_wait3A_50 = arith.constant 48 : i32
      %dma_wait3A_51 = tpu.memref_slice %arg12[%dma_wait3A_50] : memref<112xf32, #tpu.memory_space<vmem>> -> memref<1xf32, #tpu.memory_space<vmem>>
      %dma_wait3A_52 = arith.constant 48 : i32
      %dma_wait3A_53 = tpu.memref_slice %arg12[%dma_wait3A_52] : memref<112xf32, #tpu.memory_space<vmem>> -> memref<1xf32, #tpu.memory_space<vmem>>
      tpu.wait_dma2 semaphore(%arg21 : memref<!tpu.dma_semaphore, #tpu.memory_space<semaphore_mem>>) src(%arg5 : memref<1xf32, #tpu.memory_space<hbm>>) dst(%dma_wait3A_53 : memref<1xf32, #tpu.memory_space<vmem>>)
      %dma_wait3A_54 = arith.constant 64 : i32
      %dma_wait3A_55 = tpu.memref_slice %arg12[%dma_wait3A_54] : memref<112xf32, #tpu.memory_space<vmem>> -> memref<1xf32, #tpu.memory_space<vmem>>
      %dma_wait3A_56 = arith.constant 64 : i32
      %dma_wait3A_57 = tpu.memref_slice %arg12[%dma_wait3A_56] : memref<112xf32, #tpu.memory_space<vmem>> -> memref<1xf32, #tpu.memory_space<vmem>>
      tpu.wait_dma2 semaphore(%arg22 : memref<!tpu.dma_semaphore, #tpu.memory_space<semaphore_mem>>) src(%arg6 : memref<1xf32, #tpu.memory_space<hbm>>) dst(%dma_wait3A_57 : memref<1xf32, #tpu.memory_space<vmem>>)
      %dma_wait3A_58 = arith.constant 80 : i32
      %dma_wait3A_59 = tpu.memref_slice %arg12[%dma_wait3A_58] : memref<112xf32, #tpu.memory_space<vmem>> -> memref<1xf32, #tpu.memory_space<vmem>>
      %dma_wait3A_60 = arith.constant 80 : i32
      %dma_wait3A_61 = tpu.memref_slice %arg12[%dma_wait3A_60] : memref<112xf32, #tpu.memory_space<vmem>> -> memref<1xf32, #tpu.memory_space<vmem>>
      tpu.wait_dma2 semaphore(%arg23 : memref<!tpu.dma_semaphore, #tpu.memory_space<semaphore_mem>>) src(%arg7 : memref<1xf32, #tpu.memory_space<hbm>>) dst(%dma_wait3A_61 : memref<1xf32, #tpu.memory_space<vmem>>)
      %dma_wait3A_62 = arith.constant 96 : i32
      %dma_wait3A_63 = tpu.memref_slice %arg12[%dma_wait3A_62] : memref<112xf32, #tpu.memory_space<vmem>> -> memref<1xf32, #tpu.memory_space<vmem>>
      %dma_wait3A_64 = arith.constant 96 : i32
      %dma_wait3A_65 = tpu.memref_slice %arg12[%dma_wait3A_64] : memref<112xf32, #tpu.memory_space<vmem>> -> memref<1xf32, #tpu.memory_space<vmem>>
      tpu.wait_dma2 semaphore(%arg24 : memref<!tpu.dma_semaphore, #tpu.memory_space<semaphore_mem>>) src(%arg8 : memref<1xf32, #tpu.memory_space<hbm>>) dst(%dma_wait3A_65 : memref<1xf32, #tpu.memory_space<vmem>>)
      %broadcast_in_dim3A = arith.constant 16 : i32
      %broadcast_in_dim3A_66 = vector.broadcast %broadcast_in_dim3A : i32 to vector<16xi32>
      %gather3A = tpu.vector_load_idx %arg12[%broadcast_in_dim3A_66] : memref<112xf32, #tpu.memory_space<vmem>>[vector<16xi32>], vector<16xf32>,
      %broadcast_in_dim3A_67 = arith.constant 32 : i32
      %broadcast_in_dim3A_68 = vector.broadcast %broadcast_in_dim3A_67 : i32 to vector<16xi32>
      %gather3A_69 = tpu.vector_load_idx %arg12[%broadcast_in_dim3A_68] : memref<112xf32, #tpu.memory_space<vmem>>[vector<16xi32>], vector<16xf32>,
      %min3A = arith.minimumf %gather3A, %gather3A_69 : vector<16xf32>
      %max3A = arith.maximumf %gather3A, %gather3A_69 : vector<16xf32>
      %sub3A = arith.subf %max3A, %min3A : vector<16xf32>
      %add3A_70 = arith.constant 9.99999974E-5 : f32
      %add3A_71 = vector.broadcast %add3A_70 : f32 to vector<16xf32>
      %add3A_72 = arith.addf %sub3A, %add3A_71 : vector<16xf32>
      %div3A = arith.constant 1.000000e+00 : f32
      %div3A_73 = vector.broadcast %div3A : f32 to vector<16xf32>
      %div3A_74 = arith.divf %div3A_73, %add3A_72 : vector<16xf32>
      %broadcast_in_dim3A_75 = arith.constant 48 : i32
      %broadcast_in_dim3A_76 = vector.broadcast %broadcast_in_dim3A_75 : i32 to vector<16xi32>
      %gather3A_77 = tpu.vector_load_idx %arg12[%broadcast_in_dim3A_76] : memref<112xf32, #tpu.memory_space<vmem>>[vector<16xi32>], vector<16xf32>,
      %broadcast_in_dim3A_78 = arith.constant 64 : i32
      %broadcast_in_dim3A_79 = vector.broadcast %broadcast_in_dim3A_78 : i32 to vector<16xi32>
      %gather3A_80 = tpu.vector_load_idx %arg12[%broadcast_in_dim3A_79] : memref<112xf32, #tpu.memory_space<vmem>>[vector<16xi32>], vector<16xf32>,
      %min3A_81 = arith.minimumf %gather3A_77, %gather3A_80 : vector<16xf32>
      %max3A_82 = arith.maximumf %gather3A_77, %gather3A_80 : vector<16xf32>
      %sub3A_83 = arith.subf %max3A_82, %min3A_81 : vector<16xf32>
      %add3A_84 = arith.constant 9.99999974E-5 : f32
      %add3A_85 = vector.broadcast %add3A_84 : f32 to vector<16xf32>
      %add3A_86 = arith.addf %sub3A_83, %add3A_85 : vector<16xf32>
      %div3A_87 = arith.constant 1.000000e+00 : f32
      %div3A_88 = vector.broadcast %div3A_87 : f32 to vector<16xf32>
      %div3A_89 = arith.divf %div3A_88, %add3A_86 : vector<16xf32>
      %broadcast_in_dim3A_90 = arith.constant 80 : i32
      %broadcast_in_dim3A_91 = vector.broadcast %broadcast_in_dim3A_90 : i32 to vector<16xi32>
      %gather3A_92 = tpu.vector_load_idx %arg12[%broadcast_in_dim3A_91] : memref<112xf32, #tpu.memory_space<vmem>>[vector<16xi32>], vector<16xf32>,
      %broadcast_in_dim3A_93 = arith.constant 96 : i32
      %broadcast_in_dim3A_94 = vector.broadcast %broadcast_in_dim3A_93 : i32 to vector<16xi32>
      %gather3A_95 = tpu.vector_load_idx %arg12[%broadcast_in_dim3A_94] : memref<112xf32, #tpu.memory_space<vmem>>[vector<16xi32>], vector<16xf32>,
      %min3A_96 = arith.minimumf %gather3A_92, %gather3A_95 : vector<16xf32>
      %max3A_97 = arith.maximumf %gather3A_92, %gather3A_95 : vector<16xf32>
      %sub3A_98 = arith.subf %max3A_97, %min3A_96 : vector<16xf32>
      %add3A_99 = arith.constant 9.99999974E-5 : f32
      %add3A_100 = vector.broadcast %add3A_99 : f32 to vector<16xf32>
      %add3A_101 = arith.addf %sub3A_98, %add3A_100 : vector<16xf32>
      %div3A_102 = arith.constant 1.000000e+00 : f32
      %div3A_103 = vector.broadcast %div3A_102 : f32 to vector<16xf32>
      %div3A_104 = arith.divf %div3A_103, %add3A_101 : vector<16xf32>
      %parallel_loop3A_105 = arith.constant 0 : i32
      %parallel_loop3A_106 = arith.constant 32 : i32
      %parallel_loop3A_107 = arith.constant 1 : i32
      scf.for %parallel_loop3A_108 = %parallel_loop3A_105 to %parallel_loop3A_106 step %parallel_loop3A_107  : i32 {
        %parallel_loop3A_109 = arith.constant 16 : i32
        %parallel_loop3A_110 = arith.muli %parallel_loop3A_109, %parallel_loop3A_108 : i32
        %parallel_loop3A_111 = arith.index_cast %parallel_loop3A_110 : i32 to index
        %parallel_loop3A_112 = tpu.vector_load %arg11[%parallel_loop3A_111] {strides = array<i32>} : memref<512xf32, #tpu.memory_space<vmem>>, vector<16xf32>,
        %parallel_loop3A_113 = arith.constant 1.000000e+00 : f32
        %parallel_loop3A_114 = vector.broadcast %parallel_loop3A_113 : f32 to vector<16xf32>
        %parallel_loop3A_115 = arith.subf %parallel_loop3A_114, %parallel_loop3A_112 : vector<16xf32>
        %parallel_loop3A_116 = arith.divf %parallel_loop3A_112, %parallel_loop3A_115 : vector<16xf32>
        %parallel_loop3A_117 = vector.bitcast %parallel_loop3A_116 : vector<16xf32> to vector<16xi32>
        %parallel_loop3A_118 = arith.constant 23 : i32
        %parallel_loop3A_119 = vector.broadcast %parallel_loop3A_118 : i32 to vector<16xi32>
        %parallel_loop3A_120 = arith.shrsi %parallel_loop3A_117, %parallel_loop3A_119 : vector<16xi32>
        %parallel_loop3A_121 = arith.constant 127 : i32
        %parallel_loop3A_122 = vector.broadcast %parallel_loop3A_121 : i32 to vector<16xi32>
        %parallel_loop3A_123 = arith.subi %parallel_loop3A_120, %parallel_loop3A_122 : vector<16xi32>
        %parallel_loop3A_124 = arith.constant 8388607 : i32
        %parallel_loop3A_125 = vector.broadcast %parallel_loop3A_124 : i32 to vector<16xi32>
        %parallel_loop3A_126 = arith.andi %parallel_loop3A_117, %parallel_loop3A_125 : vector<16xi32>
        %parallel_loop3A_127 = arith.constant 1065353216 : i32
        %parallel_loop3A_128 = vector.broadcast %parallel_loop3A_127 : i32 to vector<16xi32>
        %parallel_loop3A_129 = arith.ori %parallel_loop3A_126, %parallel_loop3A_128 : vector<16xi32>
        %parallel_loop3A_130 = vector.bitcast %parallel_loop3A_129 : vector<16xi32> to vector<16xf32>
        %parallel_loop3A_131 = arith.constant 1.000000e+00 : f32
        %parallel_loop3A_132 = vector.broadcast %parallel_loop3A_131 : f32 to vector<16xf32>
        %parallel_loop3A_133 = arith.subf %parallel_loop3A_130, %parallel_loop3A_132 : vector<16xf32>
        %parallel_loop3A_134 = arith.constant 1.000000e+00 : f32
        %parallel_loop3A_135 = vector.broadcast %parallel_loop3A_134 : f32 to vector<16xf32>
        %parallel_loop3A_136 = arith.addf %parallel_loop3A_130, %parallel_loop3A_135 : vector<16xf32>
        %parallel_loop3A_137 = arith.divf %parallel_loop3A_133, %parallel_loop3A_136 : vector<16xf32>
        %parallel_loop3A_138 = arith.mulf %parallel_loop3A_137, %parallel_loop3A_137 : vector<16xf32>
        %parallel_loop3A_139 = arith.constant 0.111111112 : f32
        %parallel_loop3A_140 = vector.broadcast %parallel_loop3A_139 : f32 to vector<16xf32>
        %parallel_loop3A_141 = arith.mulf %parallel_loop3A_140, %parallel_loop3A_138 : vector<16xf32>
        %parallel_loop3A_142 = arith.constant 0.142857149 : f32
        %parallel_loop3A_143 = vector.broadcast %parallel_loop3A_142 : f32 to vector<16xf32>
        %parallel_loop3A_144 = arith.addf %parallel_loop3A_141, %parallel_loop3A_143 : vector<16xf32>
        %parallel_loop3A_145 = arith.mulf %parallel_loop3A_144, %parallel_loop3A_138 : vector<16xf32>
        %parallel_loop3A_146 = arith.constant 2.000000e-01 : f32
        %parallel_loop3A_147 = vector.broadcast %parallel_loop3A_146 : f32 to vector<16xf32>
        %parallel_loop3A_148 = arith.addf %parallel_loop3A_145, %parallel_loop3A_147 : vector<16xf32>
        %parallel_loop3A_149 = arith.mulf %parallel_loop3A_148, %parallel_loop3A_138 : vector<16xf32>
        %parallel_loop3A_150 = arith.constant 0.333333343 : f32
        %parallel_loop3A_151 = vector.broadcast %parallel_loop3A_150 : f32 to vector<16xf32>
        %parallel_loop3A_152 = arith.addf %parallel_loop3A_149, %parallel_loop3A_151 : vector<16xf32>
        %parallel_loop3A_153 = arith.mulf %parallel_loop3A_152, %parallel_loop3A_138 : vector<16xf32>
        %parallel_loop3A_154 = arith.constant 1.000000e+00 : f32
        %parallel_loop3A_155 = vector.broadcast %parallel_loop3A_154 : f32 to vector<16xf32>
        %parallel_loop3A_156 = arith.addf %parallel_loop3A_153, %parallel_loop3A_155 : vector<16xf32>
        %parallel_loop3A_157 = arith.constant 2.000000e+00 : f32
        %parallel_loop3A_158 = vector.broadcast %parallel_loop3A_157 : f32 to vector<16xf32>
        %parallel_loop3A_159 = arith.mulf %parallel_loop3A_158, %parallel_loop3A_137 : vector<16xf32>
        %parallel_loop3A_160 = arith.mulf %parallel_loop3A_159, %parallel_loop3A_156 : vector<16xf32>
        %parallel_loop3A_161 = arith.sitofp %parallel_loop3A_123 : vector<16xi32> to vector<16xf32>
        %parallel_loop3A_162 = arith.constant 0.693147182 : f32
        %parallel_loop3A_163 = vector.broadcast %parallel_loop3A_162 : f32 to vector<16xf32>
        %parallel_loop3A_164 = arith.mulf %parallel_loop3A_161, %parallel_loop3A_163 : vector<16xf32>
        %parallel_loop3A_165 = arith.addf %parallel_loop3A_160, %parallel_loop3A_164 : vector<16xf32>
        %parallel_loop3A_166 = arith.subf %max3A, %parallel_loop3A_165 : vector<16xf32>
        %parallel_loop3A_167 = arith.mulf %parallel_loop3A_166, %div3A_74 : vector<16xf32>
        %parallel_loop3A_168 = arith.constant 0.000000e+00 : f32
        %parallel_loop3A_169 = vector.broadcast %parallel_loop3A_168 : f32 to vector<16xf32>
        %parallel_loop3A_170 = arith.subf %parallel_loop3A_169, %parallel_loop3A_167 : vector<16xf32>
        %parallel_loop3A_171 = math.exp %parallel_loop3A_170 : vector<16xf32>
        %parallel_loop3A_172 = arith.constant 1.000000e+00 : f32
        %parallel_loop3A_173 = vector.broadcast %parallel_loop3A_172 : f32 to vector<16xf32>
        %parallel_loop3A_174 = arith.addf %parallel_loop3A_173, %parallel_loop3A_171 : vector<16xf32>
        %parallel_loop3A_175 = arith.constant 1.000000e+00 : f32
        %parallel_loop3A_176 = vector.broadcast %parallel_loop3A_175 : f32 to vector<16xf32>
        %parallel_loop3A_177 = arith.divf %parallel_loop3A_176, %parallel_loop3A_174 : vector<16xf32>
        %parallel_loop3A_178 = arith.constant 16 : i32
        %parallel_loop3A_179 = arith.muli %parallel_loop3A_178, %parallel_loop3A_108 : i32
        %parallel_loop3A_180 = arith.constant 0 : i32
        %parallel_loop3A_181 = arith.addi %parallel_loop3A_180, %parallel_loop3A_179 : i32
        %parallel_loop3A_182 = arith.index_cast %parallel_loop3A_181 : i32 to index
        %parallel_loop3A_183 = tpu.vector_load %arg13[%parallel_loop3A_182] {strides = array<i32>} : memref<1536xf32, #tpu.memory_space<vmem>>, vector<16xf32>,
        tpu.vector_store %arg13[%parallel_loop3A_182], %parallel_loop3A_177 {strides = array<i32>} : memref<1536xf32, #tpu.memory_space<vmem>>, vector<16xf32>,
        %parallel_loop3A_184 = arith.subf %max3A_82, %parallel_loop3A_165 : vector<16xf32>
        %parallel_loop3A_185 = arith.mulf %parallel_loop3A_184, %div3A_89 : vector<16xf32>
        %parallel_loop3A_186 = arith.constant 0.000000e+00 : f32
        %parallel_loop3A_187 = vector.broadcast %parallel_loop3A_186 : f32 to vector<16xf32>
        %parallel_loop3A_188 = arith.subf %parallel_loop3A_187, %parallel_loop3A_185 : vector<16xf32>
        %parallel_loop3A_189 = math.exp %parallel_loop3A_188 : vector<16xf32>
        %parallel_loop3A_190 = arith.constant 1.000000e+00 : f32
        %parallel_loop3A_191 = vector.broadcast %parallel_loop3A_190 : f32 to vector<16xf32>
        %parallel_loop3A_192 = arith.addf %parallel_loop3A_191, %parallel_loop3A_189 : vector<16xf32>
        %parallel_loop3A_193 = arith.constant 1.000000e+00 : f32
        %parallel_loop3A_194 = vector.broadcast %parallel_loop3A_193 : f32 to vector<16xf32>
        %parallel_loop3A_195 = arith.divf %parallel_loop3A_194, %parallel_loop3A_192 : vector<16xf32>
        %parallel_loop3A_196 = arith.constant 16 : i32
        %parallel_loop3A_197 = arith.muli %parallel_loop3A_196, %parallel_loop3A_108 : i32
        %parallel_loop3A_198 = arith.constant 512 : i32
        %parallel_loop3A_199 = arith.addi %parallel_loop3A_198, %parallel_loop3A_197 : i32
        %parallel_loop3A_200 = arith.index_cast %parallel_loop3A_199 : i32 to index
        %parallel_loop3A_201 = tpu.vector_load %arg13[%parallel_loop3A_200] {strides = array<i32>} : memref<1536xf32, #tpu.memory_space<vmem>>, vector<16xf32>,
        tpu.vector_store %arg13[%parallel_loop3A_200], %parallel_loop3A_195 {strides = array<i32>} : memref<1536xf32, #tpu.memory_space<vmem>>, vector<16xf32>,
        %parallel_loop3A_202 = arith.subf %max3A_97, %parallel_loop3A_165 : vector<16xf32>
        %parallel_loop3A_203 = arith.mulf %parallel_loop3A_202, %div3A_104 : vector<16xf32>
        %parallel_loop3A_204 = arith.constant 0.000000e+00 : f32
        %parallel_loop3A_205 = vector.broadcast %parallel_loop3A_204 : f32 to vector<16xf32>
        %parallel_loop3A_206 = arith.subf %parallel_loop3A_205, %parallel_loop3A_203 : vector<16xf32>
        %parallel_loop3A_207 = math.exp %parallel_loop3A_206 : vector<16xf32>
        %parallel_loop3A_208 = arith.constant 1.000000e+00 : f32
        %parallel_loop3A_209 = vector.broadcast %parallel_loop3A_208 : f32 to vector<16xf32>
        %parallel_loop3A_210 = arith.addf %parallel_loop3A_209, %parallel_loop3A_207 : vector<16xf32>
        %parallel_loop3A_211 = arith.constant 1.000000e+00 : f32
        %parallel_loop3A_212 = vector.broadcast %parallel_loop3A_211 : f32 to vector<16xf32>
        %parallel_loop3A_213 = arith.divf %parallel_loop3A_212, %parallel_loop3A_210 : vector<16xf32>
        %parallel_loop3A_214 = arith.constant 16 : i32
        %parallel_loop3A_215 = arith.muli %parallel_loop3A_214, %parallel_loop3A_108 : i32
        %parallel_loop3A_216 = arith.constant 1024 : i32
        %parallel_loop3A_217 = arith.addi %parallel_loop3A_216, %parallel_loop3A_215 : i32
        %parallel_loop3A_218 = arith.index_cast %parallel_loop3A_217 : i32 to index
        %parallel_loop3A_219 = tpu.vector_load %arg13[%parallel_loop3A_218] {strides = array<i32>} : memref<1536xf32, #tpu.memory_space<vmem>>, vector<16xf32>,
        tpu.vector_store %arg13[%parallel_loop3A_218], %parallel_loop3A_213 {strides = array<i32>} : memref<1536xf32, #tpu.memory_space<vmem>>, vector<16xf32>,
      } {sc.loop_unroll_factor = 4 : i64, sc.parallel_access}
      "tpu.region"() ({
        %run_scoped3A = tpu.sem_alloc : memref<!tpu.dma_semaphore, #tpu.memory_space<semaphore_mem>>
        tpu.enqueue_dma source(%arg13 : memref<1536xf32, #tpu.memory_space<vmem>>) target(%arg16 : memref<1536xf32, #tpu.memory_space<vmem_shared>>) target_semaphore(%run_scoped3A : memref<!tpu.dma_semaphore, #tpu.memory_space<semaphore_mem>>)
        tpu.wait_dma2 semaphore(%run_scoped3A : memref<!tpu.dma_semaphore, #tpu.memory_space<semaphore_mem>>) src(%arg13 : memref<1536xf32, #tpu.memory_space<vmem>>) dst(%arg16 : memref<1536xf32, #tpu.memory_space<vmem_shared>>)
        tpu.yield
      }) : () -> ()
    } else {
    }
    %barrier3A = arith.constant 0 : index
    tpu.barrier barrier_id(%barrier3A)
    %ne3A = arith.constant 0 : i32
    %ne3A_8 = arith.cmpi ne, %arg1, %ne3A : i32
    %convert_element_type3A_9 = arith.extui %ne3A_8 : i1 to i32
    %cond3A_10 = arith.constant 0 : i32
    %cond3A_11 = arith.cmpi ne, %convert_element_type3A_9, %cond3A_10 : i32
    scf.if %cond3A_11 {
      "tpu.region"() ({
        %run_scoped3A = tpu.sem_alloc : memref<!tpu.dma_semaphore, #tpu.memory_space<semaphore_mem>>
        tpu.enqueue_dma source(%arg16 : memref<1536xf32, #tpu.memory_space<vmem_shared>>) target(%arg13 : memref<1536xf32, #tpu.memory_space<vmem>>) target_semaphore(%run_scoped3A : memref<!tpu.dma_semaphore, #tpu.memory_space<semaphore_mem>>)
        tpu.wait_dma2 semaphore(%run_scoped3A : memref<!tpu.dma_semaphore, #tpu.memory_space<semaphore_mem>>) src(%arg16 : memref<1536xf32, #tpu.memory_space<vmem_shared>>) dst(%arg13 : memref<1536xf32, #tpu.memory_space<vmem>>)
        tpu.yield
      }) : () -> ()
    } else {
    }
    %dma_wait3A = tpu.memref_slice %arg9[%mul3A_4] : memref<49152xi32, #tpu.memory_space<hbm>> -> memref<1536xi32, #tpu.memory_space<hbm>>
    %dma_wait3A_12 = tpu.memref_slice %arg9[%mul3A_4] : memref<49152xi32, #tpu.memory_space<hbm>> -> memref<1536xi32, #tpu.memory_space<hbm>>
    tpu.wait_dma2 semaphore(%arg18 : memref<!tpu.dma_semaphore, #tpu.memory_space<semaphore_mem>>) src(%dma_wait3A_12 : memref<1536xi32, #tpu.memory_space<hbm>>) dst(%arg14 : memref<1536xi32, #tpu.memory_space<vmem>>)
    %iota3A = tpu.iota {dimensions = array<i32: 0>} : vector<16xi32>
    %mul3A_13 = arith.constant 3 : i32
    %mul3A_14 = vector.broadcast %mul3A_13 : i32 to vector<16xi32>
    %mul3A_15 = arith.muli %iota3A, %mul3A_14 : vector<16xi32>
    %parallel_loop3A = arith.constant 0 : i32
    %parallel_loop3A_16 = arith.constant 32 : i32
    %parallel_loop3A_17 = arith.constant 1 : i32
    scf.for %parallel_loop3A_18 = %parallel_loop3A to %parallel_loop3A_16 step %parallel_loop3A_17  : i32 {
      %parallel_loop3A_19 = arith.constant 48 : i32
      %parallel_loop3A_20 = arith.muli %parallel_loop3A_18, %parallel_loop3A_19 : i32
      %parallel_loop3A_21 = arith.constant 0 : i32
      %parallel_loop3A_22 = arith.addi %parallel_loop3A_20, %parallel_loop3A_21 : i32
      %parallel_loop3A_23 = vector.broadcast %parallel_loop3A_22 : i32 to vector<16xi32>
      %parallel_loop3A_24 = arith.addi %mul3A_15, %parallel_loop3A_23 : vector<16xi32>
      %parallel_loop3A_25 = tpu.vector_load_idx %arg14[%parallel_loop3A_24] : memref<1536xi32, #tpu.memory_space<vmem>>[vector<16xi32>], vector<16xi32>,
      %parallel_loop3A_26 = arith.constant 0 : i32
      %parallel_loop3A_27 = vector.broadcast %parallel_loop3A_26 : i32 to vector<16xi32>
      %parallel_loop3A_28 = arith.addi %parallel_loop3A_25, %parallel_loop3A_27 : vector<16xi32>
      %parallel_loop3A_29 = tpu.vector_load_idx %arg13[%parallel_loop3A_28] : memref<1536xf32, #tpu.memory_space<vmem>>[vector<16xi32>], vector<16xf32>,
      %parallel_loop3A_30 = arith.constant 48 : i32
      %parallel_loop3A_31 = arith.muli %parallel_loop3A_18, %parallel_loop3A_30 : i32
      %parallel_loop3A_32 = arith.constant 1 : i32
      %parallel_loop3A_33 = arith.addi %parallel_loop3A_31, %parallel_loop3A_32 : i32
      %parallel_loop3A_34 = vector.broadcast %parallel_loop3A_33 : i32 to vector<16xi32>
      %parallel_loop3A_35 = arith.addi %mul3A_15, %parallel_loop3A_34 : vector<16xi32>
      %parallel_loop3A_36 = tpu.vector_load_idx %arg14[%parallel_loop3A_35] : memref<1536xi32, #tpu.memory_space<vmem>>[vector<16xi32>], vector<16xi32>,
      %parallel_loop3A_37 = arith.constant 512 : i32
      %parallel_loop3A_38 = vector.broadcast %parallel_loop3A_37 : i32 to vector<16xi32>
      %parallel_loop3A_39 = arith.addi %parallel_loop3A_36, %parallel_loop3A_38 : vector<16xi32>
      %parallel_loop3A_40 = tpu.vector_load_idx %arg13[%parallel_loop3A_39] : memref<1536xf32, #tpu.memory_space<vmem>>[vector<16xi32>], vector<16xf32>,
      %parallel_loop3A_41 = arith.mulf %parallel_loop3A_29, %parallel_loop3A_40 : vector<16xf32>
      %parallel_loop3A_42 = arith.constant 48 : i32
      %parallel_loop3A_43 = arith.muli %parallel_loop3A_18, %parallel_loop3A_42 : i32
      %parallel_loop3A_44 = arith.constant 2 : i32
      %parallel_loop3A_45 = arith.addi %parallel_loop3A_43, %parallel_loop3A_44 : i32
      %parallel_loop3A_46 = vector.broadcast %parallel_loop3A_45 : i32 to vector<16xi32>
      %parallel_loop3A_47 = arith.addi %mul3A_15, %parallel_loop3A_46 : vector<16xi32>
      %parallel_loop3A_48 = tpu.vector_load_idx %arg14[%parallel_loop3A_47] : memref<1536xi32, #tpu.memory_space<vmem>>[vector<16xi32>], vector<16xi32>,
      %parallel_loop3A_49 = arith.constant 1024 : i32
      %parallel_loop3A_50 = vector.broadcast %parallel_loop3A_49 : i32 to vector<16xi32>
      %parallel_loop3A_51 = arith.addi %parallel_loop3A_48, %parallel_loop3A_50 : vector<16xi32>
      %parallel_loop3A_52 = tpu.vector_load_idx %arg13[%parallel_loop3A_51] : memref<1536xf32, #tpu.memory_space<vmem>>[vector<16xi32>], vector<16xf32>,
      %parallel_loop3A_53 = arith.mulf %parallel_loop3A_41, %parallel_loop3A_52 : vector<16xf32>
      %parallel_loop3A_54 = arith.constant 16 : i32
      %parallel_loop3A_55 = arith.muli %parallel_loop3A_18, %parallel_loop3A_54 : i32
      %parallel_loop3A_56 = arith.index_cast %parallel_loop3A_55 : i32 to index
      %parallel_loop3A_57 = tpu.vector_load %arg15[%parallel_loop3A_56] {strides = array<i32>} : memref<512xf32, #tpu.memory_space<vmem>>, vector<16xf32>,
      tpu.vector_store %arg15[%parallel_loop3A_56], %parallel_loop3A_53 {strides = array<i32>} : memref<512xf32, #tpu.memory_space<vmem>>, vector<16xf32>,
    } {sc.loop_unroll_factor = 4 : i64, sc.parallel_access}
    "tpu.region"() ({
      %run_scoped3A = tpu.sem_alloc : memref<!tpu.dma_semaphore, #tpu.memory_space<semaphore_mem>>
      %dma_start3A_18 = tpu.memref_slice %arg10[%mul3A_2] : memref<16384xf32, #tpu.memory_space<hbm>> -> memref<512xf32, #tpu.memory_space<hbm>>
      %dma_start3A_19 = tpu.memref_slice %arg10[%mul3A_2] : memref<16384xf32, #tpu.memory_space<hbm>> -> memref<512xf32, #tpu.memory_space<hbm>>
      tpu.enqueue_dma source(%arg15 : memref<512xf32, #tpu.memory_space<vmem>>) target(%dma_start3A_19 : memref<512xf32, #tpu.memory_space<hbm>>) target_semaphore(%run_scoped3A : memref<!tpu.dma_semaphore, #tpu.memory_space<semaphore_mem>>)
      %dma_wait3A_20 = tpu.memref_slice %arg10[%mul3A_2] : memref<16384xf32, #tpu.memory_space<hbm>> -> memref<512xf32, #tpu.memory_space<hbm>>
      %dma_wait3A_21 = tpu.memref_slice %arg10[%mul3A_2] : memref<16384xf32, #tpu.memory_space<hbm>> -> memref<512xf32, #tpu.memory_space<hbm>>
      tpu.wait_dma2 semaphore(%run_scoped3A : memref<!tpu.dma_semaphore, #tpu.memory_space<semaphore_mem>>) src(%arg15 : memref<512xf32, #tpu.memory_space<vmem>>) dst(%dma_wait3A_21 : memref<512xf32, #tpu.memory_space<hbm>>)
      tpu.yield
    }) : () -> ()
    return
  }
}

</mosaic_0001>

<sc_bundles>
// kernel: kernel.3.cloned.1.call-start
scs
__scs_entry_jumppad:
0x0: {  	(pc) =	sbr.rel $0x88, $3  }
0x1: {  	(tag) =	ssettag $0x0;
	lr =	simm.s32 $0x1  }
0x2: {  	[smem:$0x3F99] =	sst lr;
	_ =	strace $0xD0000000  }
0x3: {  	_ = 	snop  }
0x4: {  	_ = 	snop  }
0x5: {  	_ = 	snop  }
0x6: {  	_ = 	snop  }
0x7: {  	_ = 	snop  }
__scs_overlays_trampoline_lowered:
0x8: {  	[smem:$0x3FA8] =	sst s0  }
0x9: {  	[smem:$0x3FA9] =	sst s1  }
0xa: {  	[smem:$0x3FAA] =	sst s2  }
0xb: {  	[smem:$0x3FAB] =	sst s3  }
0xc: {  	[smem:$0x3FAC] =	sst s4  }
0xd: {  	[smem:$0x3FAD] =	sst s5  }
0xe: {  	[smem:$0x3FAE] =	sst s6  }
0xf: {  	[smem:$0x3FAF] =	sst s7  }
0x10: {  	[smem:$0x3FB0] =	sst s8  }
0x11: {  	[smem:$0x3FB1] =	sst s9;
	s0 =	simm.s32 @!p0 $0x0  }
0x12: {  	s1 =	sld [smem:$0x3F97];
	s0 =	simm.s32 @p0 $0x1  }
0x13: {  	[smem:$0x3FB2] =	sst s0;
	s0 =	simm.s32 @!p1 $0x0  }
0x14: {  	s2 =	sld [smem:$0x3F96];
	s0 =	simm.s32 @p1 $0x1  }
0x15: {  	[smem:$0x3FB3] =	sst s0;
	s0 =	simm.s32 @!p2 $0x0  }
0x16: {  	s3 =	sld [smem:$0x3FDB];
	s0 =	simm.s32 @p2 $0x1  }
0x17: {  	s4 =	simm.s32 $0x1BF5;
	[smem:$0x3FB5] =	sst s0  }
0x18: {  	s0 =	sld [smem:$0x3F98];
	_ =	swait.ge [sflag:s4], $0x0  }
0x19: {  	s7 =	sld [smem:$0x3F99]  }
0x1a: {  	s8 =	sadd.s32 $0xFFFFE003, lr  }
0x1b: {  	s9 =	sadd.s32 $0xFFFFFEF7, lr;
	s5 =	simm.s32 $0xFFFFFFFF;
	p2 =	slt.u32 s8, $0xFFFFF086  }
0x1c: {  	p1 =	slt.u32 s9, $0xF7A;
	s5 =	simm.s32 @!p2 $0x0  }
0x1d: {  	s5 =	simm.s32 @p1 $0x1;
	p0 =	seq.s32 s7, s2  }
0x1e: {  	s7 =	smul.u32 @!p0 $0xF7A, s2;
	p2 =	seq.s32 @!p0 s5, $0x0  }
0x1f: {  	s9 =	smul.u32 $0xF7A, s1;
	s8 =	simm.s32 @!p0 $0x1BF5;
	p2 =	por !p2, p0  }
0x20: {  	[sflag:s8] =	ssyncset.s32 @!p0 $0xFFFFF086;
	s6 =	sadd.s32 @!p0 s3, s7;
	s7 =	simm.s32 @!p0 $0x108  }
0x21: {  	s3 =	sadd.s32 s3, s9;
	s6 =	sadd.s32 @!p0 $0x88, s6;
	s7 =	simm.s32 @p2 $0x1082  }
0x22: {  	[simem:s7], [sflag:s8] =	dma.local @!p0 [hbm:s6], $0xF7A  }
0x23: {  	s9 =	sor.u32 $0xD0000000, s2;
	s6 =	simm.s32 $0x108;
	_ =	swait.ge @!p0 [sflag:s8], $0x0  }
0x24: {  	s3 =	sadd.s32 $0x88, s3;
	s6 =	simm.s32 @!p1 $0x1082;
	[sflag:s4] =	ssyncset.s32 $0xFFFFF086  }
0x25: {  	[simem:s6], [sflag:s4] =	dma.local [hbm:s3], $0xF7A  }
0x26: {  	[smem:$0x3F99] =	sst s1;
	(tag) =	ssettag s2;
	_ =	strace s9  }
0x27: {  	s1 =	sld [smem:$0x3FA9]  }
0x28: {  	s2 =	sld [smem:$0x3FAA]  }
0x29: {  	s4 =	sld [smem:$0x3FAC]  }
0x2a: {  	p0 =	seq.s32 s5, $0x0;
	s5 =	sld [smem:$0x3FAD]  }
0x2b: {  	s6 =	sld [smem:$0x3FAE]  }
0x2c: {  	s7 =	sld [smem:$0x3FAF]  }
0x2d: {  	s3 =	simm.s32 $0x108;
	s8 =	sld [smem:$0x3FB0]  }
0x2e: {  	s3 =	simm.s32 @!p0 $0x1082;
	s9 =	sld [smem:$0x3FB1]  }
0x2f: {  	lr =	sadd.s32 s0, s3;
	s0 =	sld [smem:$0x3FA8]  }
0x30: {  	s3 =	sld [smem:$0x3FAB]  }
0x31: {  	[smem:$0x3FB4] =	sst s10  }
0x32: {  	s10 =	sld [smem:$0x3FB2];
	_ =	sdelay $0x3  }
0x33: {  	p0 =	seq.s32 s10, $0x1;
	s10 =	sld [smem:$0x3FB4];
	_ =	sdelay $0x3  }
0x34: {  	[smem:$0x3FB4] =	sst s10  }
0x35: {  	s10 =	sld [smem:$0x3FB3];
	_ =	sdelay $0x3  }
0x36: {  	p1 =	seq.s32 s10, $0x1;
	s10 =	sld [smem:$0x3FB4];
	_ =	sdelay $0x3  }
0x37: {  	[smem:$0x3FB4] =	sst s10  }
0x38: {  	s10 =	sld [smem:$0x3FB5]  }
0x39: {  	_ = 	snop;
	(pc) =	sbr.ind lr, $3  }
0x3a: {  	_ = 	snop  }
0x3b: {  	_ = 	snop  }
0x3c: {  	p2 =	seq.s32 s10, $0x1;
	s10 =	sld [smem:$0x3FB4]  }
0x3d: {  	_ =	shalt  }
0x3e: {  	_ =	shalt  }
0x3f: {  	_ =	shalt  }
0x40: {  	_ =	shalt  }
0x41: {  	_ =	shalt  }
0x42: {  	_ =	shalt  }
0x43: {  	_ =	shalt  }
0x44: {  	_ =	shalt  }
0x45: {  	_ =	shalt  }
0x46: {  	_ =	shalt  }
0x47: {  	_ =	shalt  }
0x48: {  	_ =	shalt  }
0x49: {  	_ =	shalt  }
0x4a: {  	_ =	shalt  }
0x4b: {  	_ =	shalt  }
0x4c: {  	_ =	shalt  }
0x4d: {  	_ =	shalt  }
0x4e: {  	_ =	shalt  }
0x4f: {  	_ =	shalt  }
0x50: {  	_ =	shalt  }
0x51: {  	_ =	shalt  }
0x52: {  	_ =	shalt  }
0x53: {  	_ =	shalt  }
0x54: {  	_ =	shalt  }
0x55: {  	_ =	shalt  }
0x56: {  	_ =	shalt  }
0x57: {  	_ =	shalt  }
0x58: {  	_ =	shalt  }
0x59: {  	_ =	shalt  }
0x5a: {  	_ =	shalt  }
0x5b: {  	_ =	shalt  }
0x5c: {  	_ =	shalt  }
0x5d: {  	_ =	shalt  }
0x5e: {  	_ =	shalt  }
0x5f: {  	_ =	shalt  }
0x60: {  	_ =	shalt  }
0x61: {  	_ =	shalt  }
0x62: {  	_ =	shalt  }
0x63: {  	_ =	shalt  }
0x64: {  	_ =	shalt  }
0x65: {  	_ =	shalt  }
0x66: {  	_ =	shalt  }
0x67: {  	_ =	shalt  }
0x68: {  	_ =	shalt  }
0x69: {  	_ =	shalt  }
0x6a: {  	_ =	shalt  }
0x6b: {  	_ =	shalt  }
0x6c: {  	_ =	shalt  }
0x6d: {  	_ =	shalt  }
0x6e: {  	_ =	shalt  }
0x6f: {  	_ =	shalt  }
0x70: {  	_ =	shalt  }
0x71: {  	_ =	shalt  }
0x72: {  	_ =	shalt  }
0x73: {  	_ =	shalt  }
0x74: {  	_ =	shalt  }
0x75: {  	_ =	shalt  }
0x76: {  	_ =	shalt  }
0x77: {  	_ =	shalt  }
0x78: {  	_ =	shalt  }
0x79: {  	_ =	shalt  }
0x7a: {  	_ =	shalt  }
0x7b: {  	_ =	shalt  }
0x7c: {  	_ =	shalt  }
0x7d: {  	_ =	shalt  }
0x7e: {  	_ =	shalt  }
0x7f: {  	_ =	shalt  }
0x80: {  	_ =	shalt  }
0x81: {  	_ =	shalt  }
0x82: {  	_ =	shalt  }
0x83: {  	_ =	shalt  }
0x84: {  	_ =	shalt  }
0x85: {  	_ =	shalt  }
0x86: {  	_ =	shalt  }
0x87: {  	_ =	shalt  }
.Lfunc_end0:
.L_simem_size_0:
called_computation_lowered:
.L_overlay_start_0:
0x88: {  	s2 =	sld [smem:$0x3FD9]  }
0x89: {  	s3 =	sld [smem:$0x3FFE];
	_ =	sdelay $0x1  }
0x8a: {  	s1 =	srdreg.scid  }
0x8b: {  	s0 =	sand.u32 $0x1, s1  }
0x8c: {  	s17 =	sshll.u32 s0, $0xA;
	s2 =	sadd.s32 s3, s2  }
0x8d: {  	s2 =	sadd.s32 s2, s17  }
0x8e: {  	[smem:$0x3FC0] =	sst s2  }
0x8f: {  	_ = 	snop  }
0x90: {  	s2 =	sld [smem:$0x3FC9]  }
0x91: {  	s18 =	sld [smem:$0x3FC7]  }
0x92: {  	s4 =	sld [smem:$0x3FC6]  }
0x93: {  	s5 =	sld [smem:$0x3FC5]  }
0x94: {  	s6 =	sld [smem:$0x3FC4]  }
0x95: {  	s7 =	sld [smem:$0x3FC3]  }
0x96: {  	s8 =	sld [smem:$0x3FC2]  }
0x97: {  	s9 =	sld [smem:$0x3FD0];
	(tm) =	ssettm $0x1  }
0x98: {  	s10 =	sld [smem:$0x3FFB];
	_ =	sdelay $0x3  }
0x99: {  	_ =	strace s10  }
0x9a: {  	s10 =	sld [smem:$0x3FFC];
	_ =	sdelay $0x3  }
0x9b: {  	_ =	strace s10  }
0x9c: {  	s10 =	sld [smem:$0x3FFD];
	_ =	sdelay $0x3  }
0x9d: {  	_ =	strace s10  }
0x9e: {  	_ =	strace $0x8FFFFFFF  }
0x9f: {  	s19 =	sld [smem:$0x3FDB];
	_ =	sdelay $0x1  }
0xa0: {  	s11 =	simm.s32 $_scs_section_size  }
0xa1: {  	s12 =	simm.s32 $_size__tile_overlayer_lowered;
	s13 =	simm.s32 $_tile_overlayer_lowered  }
0xa2: {  	s22 =	simm.s32 $0x1BFF;
	s21 =	sshll.u32 s13, $0x1;
	s10 =	sadd.s32 s11, s19  }
0xa3: {  	s14 =	simm.s32 $0x0;
	s20 =	sshll.u32 s12, $0x1;
	s12 =	sadd.s32 s21, s10  }
0xa4: {  	[timem:s14], [sflag:s22] =	dma.local [hbm:s12], s20  }
0xa5: {  	_ =	swait.ge [sflag:s22], s20  }
0xa6: {  	s11 =	ssub.s32 $0x0, s20;
	[sflag:s22] =	ssyncset.done $0x0  }
0xa7: {  	[sflag:s22] =	ssyncadd.s32 s11;
	_ =	sdelay $0x1  }
0xa8: {  	s23 =	simm.s32 $0x1B8B  }
0xa9: {  	_ =	swait.ge [sflag:s23], $0x1  }
0xaa: {  	[sflag:s23] =	ssyncset.done $0x0  }
0xab: {  	s25 =	simm.s32 $0x1B8E;
	s24 =	sld [smem:$0x3FFE];
	[sflag:s23] =	ssyncadd.s32 $0xFFFFFFFF  }
0xac: {  	s26 =	simm.s32 $execute0_lowered;
	[smem:$0x3FD2] =	sst s25  }
0xad: {  	s12 =	sshll.u32 s26, $0x1;
	_ =	strace $0x80000046;
	[dreg:$0x1] =	wrdreg $0xFFFFFFFF  }
0xae: {  	s28 =	simm.s32 $_size_execute0_lowered;
	s10 =	sadd.s32 s10, s12;
	[dreg:$0x0] =	wrdreg $0x0  }
0xaf: {  	s12 =	sshll.u32 s28, $0x1;
	[dreg:$0x2] =	wrdreg s10  }
0xb0: {  	[dreg:$0x3] =	wrdreg s12  }
0xb1: {  	[dreg:$0x4] =	wrdreg $0xC0  }
0xb2: {  	_ =	task [dreg:s14], $0x5FFFF  }
0xb3: {  	[dreg:$0x1] =	wrdreg $0xFFFFFFFF  }
0xb4: {  	[dreg:$0x0] =	wrdreg $0x60  }
0xb5: {  	[dreg:$0x2] =	wrdreg s2  }
0xb6: {  	[dreg:$0x3] =	wrdreg s18  }
0xb7: {  	[dreg:$0x4] =	wrdreg s4  }
0xb8: {  	[dreg:$0x5] =	wrdreg s5  }
0xb9: {  	[dreg:$0x6] =	wrdreg s6  }
0xba: {  	[dreg:$0x7] =	wrdreg s7  }
0xbb: {  	[dreg:$0x8] =	wrdreg s8  }
0xbc: {  	[dreg:$0x9] =	wrdreg s24  }
0xbd: {  	[dreg:$0xa] =	wrdreg s9  }
0xbe: {  	[dreg:$0xb] =	wrdreg $0x10800  }
0xbf: {  	[dreg:$0xc] =	wrdreg $0x9  }
0xc0: {  	_ =	task.clear_ibuf [dreg:s14], $0xDFFFF;
	_ =	strace $0x90000046  }
0xc1: {  	s29 =	simm.s32 $0x9;
	_ =	strace $0x80000048  }
0xc2: {  	_ =	swait.ge [sflag:s29], $0x1  }
0xc3: {  	[sflag:s29] =	ssyncadd.s32 $0xFFFFFFFF  }
0xc4: {  	_ =	strace $0x90000048  }
0xc5: {  	_ =	sfence  }
0xc6: {  	s30 =	sld [smem:$0x0];
	_ =	sdelay $0x2  }
0xc7: {  	s31 =	sshll.u32 s1, $0xD;
	s1 =	sshrl.u32 s1, $0x2  }
0xc8: {  	s3 =	sand.u32 $0x4000, s31;
	s1 =	sadd.s32 s1, s30  }
0xc9: {  	s0 =	sor.u32 s3, s0;
	s1 =	sshll.u32 s1, $0x11  }
0xca: {  	s0 =	sor.u32 s1, s0  }
0xcb: {  	s0 =	sadd.s32 $0x8F2B, s0  }
0xcc: {  	[sflag:s0] =	ssyncadd.remote.s32 $0x1  }
0xcd: {  	_ =	sfence.sel $0xFFFF  }
0xce: {  	[dreg:$0x0] =	wrdreg $0xFFFFFFFF;
	(pc) =	sbr.abs _section_cstart, $3  }
0xcf: {  	[dreg:$0x1] =	wrdreg $0xFFFFFFFF  }
0xd0: {  	_ =	task.clear_ibuf [dreg:s14], $0x2FFFF;
	_ =	strace $0x9FFFFFFF  }
0xd1: {  	(tm) =	ssettm $0x7FFFFFFF  }
tec
execute0_lowered:
.L_overlay_start_1:
0x0: {  	(tag) =	ssettag $0x1  }
0x1: {  	s0 =	rddreg [dreg:$0x7]  }
0x2: {  	s1 =	rddreg [dreg:$0x8];
	s2 =	srdreg.scid  }
0x3: {  	s6 =	stileid.u32;
	s9 =	rddreg [dreg:$0x9];
	s10 =	simm.s32 $0x0  }
0x4: {  	s14 =	simm.s32 $0x880;
	s17 =	simm.s32 $0x230;
	s18 =	simm.s32 $0x240  }
0x5: {  	s19 =	simm.s32 $0x250;
	s20 =	simm.s32 $0x260;
	s21 =	simm.s32 $0x1  }
0x6: {  	s22 =	simm.s32 $0x3;
	s23 =	simm.s32 $0x4;
	s24 =	simm.s32 $0x5  }
0x7: {  	s25 =	simm.s32 $0x6;
	s26 =	simm.s32 $0x7;
	s28 =	simm.s32 $0x8  }
0x8: {  	s29 =	simm.s32 $0x200;
	s30 =	simm.s32 $0x280;
	s31 =	simm.s32 $0x9  }
0x9: {  	s8 =	simm.s32 $0x2;
	s2 =	sand.u32 $0x1, s2;
	s3 =	sshll.u32 s6, $0x1  }
0xa: {  	s7 =	simm.s32 $0xE80;
	[smem:$0x7FF] =	sst s10;
	s3 =	sor.u32 s2, s3  }
0xb: {  	p0 =	seq.s32 s6, $0x0;
	s2 =	ssub.s32 $0x2, s2;
	s4 =	smul.u32 $0xC0, s3  }
0xc: {  	v0 =	vimm.s32 $0x10;
	v1 =	vimm.s32 $0x20;
	_ =	strace $0x80000047;
	s5 =	sshrl.u32 s2, $0x1;
	s3 =	sshll.u32 s3, $0x6  }
0xd: {  	v2 =	vimm.s32 $0x30;
	v3 =	vimm.s32 $0x40;
	v6 =	vlaneseq.u32;
	s2 =	ssub.s32 s2, s5;
	s12 =	sadd.s32 s1, s3;
	s0 =	sadd.s32 s4, s0  }
0xe: {  	v4 =	vimm.s32 $0x50;
	v5 =	vimm.s32 $0x60;
	v6 =	vmul.u32 $0x3, v6;
	s13 =	smax.u32 s2, $0x1;
	s11 =	sadd.s32 $0x400, s0;
	s0 =	simm.s32 $0x0  }
.LBB2_1:
.Ltmp0:
0xf: {  	(pc) =	sbr.rel @p0 .LBB2_3-.Ltmp0, $2  }
0x10: {  	_ =	sdelay $0x2  }
0x11: {  	[tilespmem:s14], [sflag:$0x2] =	stream.linear.gather [hbm4b:s11+s10], $0x600, $0x38;
	[tilespmem:$0x10E0] =	vst v63  }
.Ltmp1:
0x12: {  	[bflag:$0x0] =	sbarrier.arrive $0xFFFF;
	(pc) =	sbr.rel .LBB2_6-.Ltmp1, $4  }
0x13: {  	[tilespmem:s30], [sflag:$0x9] =	stream.linear.gather [spmem:s9], $0x600, $0x38;
	[tilespmem:$0x10E0] =	vst v63  }
0x14: {  	_ =	swait.ge [sflag:s31], $0x600  }
0x15: {  	[sflag:s31] =	ssyncset.done $0x0  }
0x16: {  	[sflag:s31] =	ssyncadd.s32 $0xFFFFFA00  }
.LBB2_3:
0x17: {  	s4 =	simm.s32 $0x0;
	s1 =	rddreg [dreg:$0x0]  }
0x18: {  	[tilespmem:s4], [sflag:$0x1] =	stream.linear.gather [hbm4b:s1+s4], $0x200, $0x38;
	[tilespmem:$0x10E0] =	vst v63  }
0x19: {  	s5 =	rddreg [dreg:$0x1];
	s2 =	simm.s32 $0x210  }
0x1a: {  	[tilespmem:s2], [sflag:$0x3] =	stream.linear.gather [hbm4b:s5+s4], $0x1, $0x38;
	[tilespmem:$0x10E0] =	vst v63  }
0x1b: {  	s6 =	rddreg [dreg:$0x2];
	s15 =	simm.s32 $0x220  }
0x1c: {  	[tilespmem:s15], [sflag:$0x4] =	stream.linear.gather [hbm4b:s6+s4], $0x1, $0x38;
	[tilespmem:$0x10E0] =	vst v63  }
0x1d: {  	s16 =	rddreg [dreg:$0x3]  }
0x1e: {  	[tilespmem:s17], [sflag:$0x5] =	stream.linear.gather [hbm4b:s16+s4], $0x1, $0x38;
	[tilespmem:$0x10E0] =	vst v63  }
0x1f: {  	s2 =	rddreg [dreg:$0x4]  }
0x20: {  	[tilespmem:s18], [sflag:$0x6] =	stream.linear.gather [hbm4b:s2+s4], $0x1, $0x38;
	[tilespmem:$0x10E0] =	vst v63  }
0x21: {  	s3 =	rddreg [dreg:$0x5]  }
0x22: {  	[tilespmem:s19], [sflag:$0x7] =	stream.linear.gather [hbm4b:s3+s4], $0x1, $0x38;
	[tilespmem:$0x10E0] =	vst v63  }
0x23: {  	s5 =	rddreg [dreg:$0x6]  }
0x24: {  	[tilespmem:s20], [sflag:$0x8] =	stream.linear.gather [hbm4b:s5+s4], $0x1, $0x38;
	[tilespmem:$0x10E0] =	vst v63  }
0x25: {  	_ =	swait.ge [sflag:s21], $0x200  }
0x26: {  	[sflag:s21] =	ssyncset.done $0x0  }
0x27: {  	[sflag:s21] =	ssyncadd.s32 $0xFFFFFE00  }
0x28: {  	_ =	swait.ge [sflag:s22], $0x1  }
0x29: {  	[sflag:s22] =	ssyncset.done $0x0  }
0x2a: {  	[sflag:s22] =	ssyncadd.s32 $0xFFFFFFFF  }
0x2b: {  	_ =	swait.ge [sflag:s23], $0x1  }
0x2c: {  	[sflag:s23] =	ssyncset.done $0x0  }
0x2d: {  	[sflag:s23] =	ssyncadd.s32 $0xFFFFFFFF  }
0x2e: {  	_ =	swait.ge [sflag:s24], $0x1  }
0x2f: {  	[sflag:s24] =	ssyncset.done $0x0  }
0x30: {  	[sflag:s24] =	ssyncadd.s32 $0xFFFFFFFF  }
0x31: {  	_ =	swait.ge [sflag:s25], $0x1  }
0x32: {  	[sflag:s25] =	ssyncset.done $0x0  }
0x33: {  	[sflag:s25] =	ssyncadd.s32 $0xFFFFFFFF  }
0x34: {  	_ =	swait.ge [sflag:s26], $0x1  }
0x35: {  	[sflag:s26] =	ssyncset.done $0x0  }
0x36: {  	[sflag:s26] =	ssyncadd.s32 $0xFFFFFFFF  }
0x37: {  	_ =	swait.ge [sflag:s28], $0x1  }
0x38: {  	[sflag:s28] =	ssyncset.done $0x0  }
0x39: {  	[sflag:s28] =	ssyncadd.s32 $0xFFFFFFFF  }
0x3a: {  	v7 =	vld.idx.msk [tilespmem:v0+s29+$0x0], $0xffff  }
0x3b: {  	v8 =	vld.idx.msk [tilespmem:v1+s29+$0x0], $0xffff  }
0x3c: {  	v9 =	vld.idx.msk [tilespmem:v2+s29+$0x0], $0xffff  }
0x3d: {  	v10 =	vld.idx.msk [tilespmem:v3+s29+$0x0], $0xffff  }
0x3e: {  	v11 =	vld.idx.msk [tilespmem:v4+s29+$0x0], $0xffff  }
0x3f: {  	v12 =	vld.idx.msk [tilespmem:v5+s29+$0x0], $0xffff;
	_ =	sdelay $0x2  }
0x40: {  	s6 =	simm.s32 $0x20;
	v13 =	vmin.f32 v7, v8;
	v7 =	vmax.f32 v7, v8  }
0x41: {  	v14 =	vld [tilespmem:s6+$0x0];
	v8 =	vsub.f32 v7, v13;
	v13 =	vmin.f32 v9, v10;
	v9 =	vmax.f32 v9, v10  }
0x42: {  	v15 =	vld [tilespmem:s6+$0xFFFFFFF0];
	v10 =	vsub.f32 v9, v13;
	v13 =	vmin.f32 v11, v12;
	v11 =	vmax.f32 v11, v12  }
0x43: {  	v8 =	vadd.f32 $9.999999740e-05, v8;
	v12 =	vsub.f32 v11, v13;
	v13 =	vld [tilespmem:s6+$0x10]  }
0x44: {  	v10 =	vadd.f32 $9.999999740e-05, v10  }
0x45: {  	(erf) = vrcp.f32 v8;
	v8 =	vadd.f32 $9.999999740e-05, v12  }
0x46: {  	(erf) = vrcp.f32 v10;
	v10 =	vsub.f32 $1.000000000e+00, v14  }
0x47: {  	(erf) = vrcp.f32 v8;
	v8 =	vsub.f32 $1.000000000e+00, v15  }
0x48: {  	v12 =	vsub.f32 $1.000000000e+00, v13;
	(erf) = vrcp.f32 v10  }
0x49: {  	(erf) = vrcp.f32 v8  }
0x4a: {  	(erf) = vrcp.f32 v12;
	_ =	sdelay $0x3  }
0x4b: {  	v8 =	vpop (erf)  }
0x4c: {  	v10 =	vpop (erf)  }
0x4d: {  	v12 =	vpop (erf)  }
0x4e: {  	v16 =	vpop (erf)  }
0x4f: {  	v17 =	vld [tilespmem:s6+$0xFFFFFFE0];
	v18 =	vpop (erf)  }
0x50: {  	v19 =	vpop (erf)  }
0x51: {  	v13 =	vmul.f32 v19, v13  }
0x52: {  	v15 =	vmul.f32 v18, v15  }
0x53: {  	v14 =	vmul.f32 v16, v14;
	v18 =	vand.u32 $0x7FFFFF, v13  }
0x54: {  	v16 =	vsub.f32 $1.000000000e+00, v17;
	v19 =	vand.u32 $0x7FFFFF, v15;
	v18 =	vor.u32 $0x3F800000, v18  }
0x55: {  	v20 =	vand.u32 $0x7FFFFF, v14;
	v19 =	vor.u32 $0x3F800000, v19;
	v21 =	vadd.f32 $1.000000000e+00, v18  }
0x56: {  	(erf) = vrcp.f32 v16;
	v16 =	vor.u32 $0x3F800000, v20;
	v20 =	vadd.f32 $1.000000000e+00, v19  }
0x57: {  	v22 =	vadd.f32 $1.000000000e+00, v16;
	(erf) = vrcp.f32 v21  }
0x58: {  	(erf) = vrcp.f32 v20  }
0x59: {  	(erf) = vrcp.f32 v22;
	_ =	sdelay $0x5  }
0x5a: {  	v20 =	vpop (erf)  }
0x5b: {  	v19 =	vadd.f32 $-1.000000000e+00, v19;
	v17 =	vmul.f32 v20, v17;
	v21 =	vpop (erf)  }
0x5c: {  	v16 =	vadd.f32 $-1.000000000e+00, v16;
	v20 =	vpop (erf)  }
0x5d: {  	v23 =	vand.u32 $0x7FFFFF, v17;
	v22 =	vpop (erf);
	v19 =	vmul.f32 v20, v19  }
0x5e: {  	v16 =	vmul.f32 v22, v16;
	v22 =	vor.u32 $0x3F800000, v23  }
0x5f: {  	v14 =	vshra.s32 v14, $0x17;
	v20 =	vadd.f32 $1.000000000e+00, v22;
	v24 =	vmul.f32 v19, v19  }
0x60: {  	v14 =	vadd.s32 $0xFFFFFF81, v14;
	v23 =	vmul.f32 v16, v16  }
0x61: {  	s15 =	simm.s32 $0x60;
	v13 =	vshra.s32 v13, $0x17;
	(erf) = vrcp.f32 v20;
	v25 =	vmul.f32 $1.111111120e-01, v24  }
0x62: {  	v29 =	vld [tilespmem:s15+$0x10];
	v13 =	vadd.s32 $0xFFFFFF81, v13;
	v18 =	vadd.f32 $-1.000000000e+00, v18;
	v20 =	vmul.f32 $1.111111120e-01, v23  }
0x63: {  	v15 =	vshra.s32 v15, $0x17;
	v13 =	vcvt.s32.f32 v13;
	v25 =	vadd.f32 $1.428571490e-01, v25  }
0x64: {  	v14 =	vcvt.s32.f32 v14;
	v18 =	vmul.f32 v21, v18;
	v20 =	vadd.f32 $1.428571490e-01, v20  }
0x65: {  	v15 =	vadd.s32 $0xFFFFFF81, v15;
	v21 =	vmul.f32 $6.931471820e-01, v13;
	v13 =	vmul.f32 v25, v24  }
0x66: {  	v15 =	vcvt.s32.f32 v15;
	v20 =	vmul.f32 v20, v23  }
0x67: {  	v26 =	vld [tilespmem:s15+$0x0];
	v33 =	vsub.f32 $1.000000000e+00, v29;
	v14 =	vmul.f32 $6.931471820e-01, v14;
	v13 =	vadd.f32 $2.000000030e-01, v13  }
0x68: {  	v15 =	vmul.f32 $6.931471820e-01, v15;
	v17 =	vshra.s32 v17, $0x17;
	v20 =	vadd.f32 $2.000000030e-01, v20  }
0x69: {  	v27 =	vld [tilespmem:s15+$0xFFFFFFF0];
	v22 =	vadd.f32 $-1.000000000e+00, v22;
	v25 =	vmul.f32 v18, v18;
	v13 =	vmul.f32 v13, v24  }
0x6a: {  	v19 =	vadd.f32 v19, v19;
	v16 =	vadd.f32 v16, v16;
	v20 =	vmul.f32 v20, v23;
	v30 =	vpop (erf)  }
0x6b: {  	v28 =	vmul.f32 $1.111111120e-01, v25;
	v22 =	vmul.f32 v30, v22;
	v13 =	vadd.f32 $3.333333430e-01, v13  }
0x6c: {  	v32 =	vld [tilespmem:s15+$0xFFFFFFE0];
	v17 =	vadd.s32 $0xFFFFFF81, v17;
	v30 =	vsub.f32 $1.000000000e+00, v26;
	v20 =	vadd.f32 $3.333333430e-01, v20  }
0x6d: {  	v28 =	vadd.f32 $1.428571490e-01, v28;
	v31 =	vmul.f32 v22, v22;
	v13 =	vmul.f32 v13, v24  }
0x6e: {  	(erf) = vrcp.f32 v30;
	v20 =	vmul.f32 v20, v23;
	v23 =	vsub.f32 $1.000000000e+00, v27  }
0x6f: {  	v18 =	vadd.f32 v18, v18;
	v24 =	vmul.f32 v28, v25;
	v13 =	vadd.f32 $1.000000000e+00, v13  }
0x70: {  	v20 =	vadd.f32 $1.000000000e+00, v20;
	(erf) = vrcp.f32 v23;
	v23 =	vmul.f32 $1.111111120e-01, v31  }
0x71: {  	(erf) = vrcp.f32 v33;
	v13 =	vmul.f32 v13, v19;
	v19 =	vsub.f32 $1.000000000e+00, v32  }
0x72: {  	v22 =	vadd.f32 v22, v22;
	v16 =	vmul.f32 v20, v16;
	v20 =	vadd.f32 $1.428571490e-01, v23  }
0x73: {  	v13 =	vadd.f32 v13, v15;
	v15 =	vcvt.s32.f32 v17;
	(erf) = vrcp.f32 v19  }
0x74: {  	v16 =	vadd.f32 v16, v14;
	v14 =	vadd.f32 $2.000000030e-01, v24;
	v20 =	vmul.f32 v20, v31  }
0x75: {  	v19 =	vsub.f32 v7, v13;
	v15 =	vmul.f32 $6.931471820e-01, v15;
	v23 =	vsub.f32 v9, v13  }
0x76: {  	v17 =	vsub.f32 v11, v16;
	v14 =	vmul.f32 v14, v25;
	v20 =	vadd.f32 $2.000000030e-01, v20  }
0x77: {  	v24 =	vpop (erf);
	v30 =	vsub.f32 v7, v16;
	v19 =	vmul.f32 v19, v8;
	v23 =	vmul.f32 v23, v10  }
0x78: {  	v35 =	vsub.f32 v9, v16;
	v24 =	vmul.f32 v24, v26;
	v20 =	vmul.f32 v20, v31  }
0x79: {  	v28 =	vsub.f32 v11, v13;
	v17 =	vmul.f32 v17, v12;
	v30 =	vmul.f32 v30, v8;
	v13 =	vpop (erf)  }
0x7a: {  	v60 =	vmul.f32 v35, v10;
	v56 =	vsub.f32 $0.0e+00, v19;
	v33 =	vpop (erf);
	v20 =	vadd.f32 $3.333333430e-01, v20  }
0x7b: {  	v17 =	vsub.f32 $0.0e+00, v17;
	v27 =	vmul.f32 v13, v27;
	v13 =	vmul.f32 v33, v29  }
0x7c: {  	v29 =	vadd.f32 $3.333333430e-01, v14;
	v14 =	vsub.f32 $0.0e+00, v23;
	v20 =	vmul.f32 v20, v31  }
0x7d: {  	v33 =	vsub.f32 $0.0e+00, v60;
	v23 =	vshra.s32 v13, $0x17;
	v13 =	vand.u32 $0x7FFFFF, v13  }
0x7e: {  	v25 =	vmul.f32 v29, v25;
	v29 =	vmul.f32 $1.442695020e+00, v17;
	v17 =	vadd.f32 $1.000000000e+00, v20  }
0x7f: {  	v31 =	vand.u32 $0x7FFFFF, v24;
	v13 =	vor.u32 $0x3F800000, v13;
	v20 =	vand.u32 $0x7FFFFF, v27  }
0x80: {  	v26 =	vpop (erf);
	v20 =	vor.u32 $0x3F800000, v20;
	v17 =	vmul.f32 v17, v22;
	v22 =	vadd.f32 $1.000000000e+00, v13  }
0x81: {  	v26 =	vmul.f32 v26, v32;
	v31 =	vor.u32 $0x3F800000, v31;
	v55 =	vadd.f32 $1.000000000e+00, v20  }
0x82: {  	v33 =	vmul.f32 $1.442695020e+00, v33;
	v34 =	vadd.f32 $1.000000000e+00, v31;
	(erf) = vrcp.f32 v22  }
0x83: {  	v14 =	vmul.f32 $1.442695020e+00, v14;
	v25 =	vadd.f32 $1.000000000e+00, v25;
	(erf) = vrcp.f32 v55  }
0x84: {  	v27 =	vshra.s32 v27, $0x17;
	v32 =	vand.u32 $0x7FFFFF, v26;
	(erf) = vrcp.f32 v34  }
0x85: {  	v57 =	vadd.f32 $-1.000000000e+00, v13;
	v20 =	vadd.f32 $-1.000000000e+00, v20;
	v18 =	vmul.f32 v25, v18  }
0x86: {  	v25 =	vmul.f32 v28, v12;
	v15 =	vadd.f32 v17, v15;
	v22 =	vor.u32 $0x3F800000, v32  }
0x87: {  	v17 =	vadd.s32 $0xFFFFFF81, v23;
	v23 =	vshra.s32 v24, $0x17;
	v19 =	vadd.f32 $1.000000000e+00, v22  }
0x88: {  	v23 =	vadd.s32 $0xFFFFFF81, v23;
	v18 =	vadd.f32 v18, v21;
	v24 =	vsub.f32 v7, v15  }
0x89: {  	v17 =	vcvt.s32.f32 v17;
	v25 =	vsub.f32 $0.0e+00, v25;
	v13 =	vsub.f32 v9, v15  }
0x8a: {  	v15 =	vsub.f32 v11, v15;
	v23 =	vcvt.s32.f32 v23;
	v24 =	vmul.f32 v24, v8  }
0x8b: {  	s16 =	simm.s32 $0xA0;
	v17 =	vmul.f32 $6.931471820e-01, v17;
	(erf) = vrcp.f32 v19;
	v19 =	vadd.s32 $0xFFFFFF81, v27;
	v21 =	vpop (erf)  }
0x8c: {  	v38 =	vld [tilespmem:s16+$0xFFFFFFF0];
	v58 =	vmul.f32 v13, v10;
	v13 =	vsub.f32 $0.0e+00, v24;
	v24 =	vadd.f32 $-1.000000000e+00, v31;
	v27 =	vpop (erf)  }
0x8d: {  	v25 =	vmul.f32 $1.442695020e+00, v25;
	v20 =	vmul.f32 v27, v20;
	v27 =	vpop (erf)  }
0x8e: {  	v28 =	vsub.f32 v11, v18;
	v15 =	vmul.f32 v15, v12;
	v24 =	vmul.f32 v27, v24  }
0x8f: {  	(erf) = vpow2.f32 v29;
	v31 =	vcvt.s32.f32 v19;
	v19 =	vsub.f32 $0.0e+00, v30  }
0x90: {  	v28 =	vmul.f32 v28, v12;
	v15 =	vsub.f32 $0.0e+00, v15;
	v36 =	vmul.f32 v24, v24  }
0x91: {  	v42 =	vsub.f32 $1.000000000e+00, v38;
	v23 =	vmul.f32 $6.931471820e-01, v23;
	v19 =	vmul.f32 $1.442695020e+00, v19  }
0x92: {  	v28 =	vsub.f32 $0.0e+00, v28;
	v15 =	vmul.f32 $1.442695020e+00, v15;
	v29 =	vmul.f32 $1.111111120e-01, v36  }
0x93: {  	v26 =	vshra.s32 v26, $0x17;
	v13 =	vmul.f32 $1.442695020e+00, v13;
	v30 =	vmul.f32 v20, v20  }
0x94: {  	v41 =	vld [tilespmem:s16+$0xFFFFFFE0];
	v28 =	vmul.f32 $1.442695020e+00, v28;
	v16 =	vmul.f32 v21, v57;
	v29 =	vadd.f32 $1.428571490e-01, v29  }
0x95: {  	v21 =	vsub.f32 $0.0e+00, v58;
	(erf) = vpow2.f32 v19;
	v19 =	vmul.f32 $1.111111120e-01, v30  }
0x96: {  	(erf) = vpow2.f32 v15;
	v15 =	vadd.s32 $0xFFFFFF81, v26;
	v29 =	vmul.f32 v29, v36  }
0x97: {  	v27 =	vsub.f32 v7, v18;
	v21 =	vmul.f32 $1.442695020e+00, v21;
	v19 =	vadd.f32 $1.428571490e-01, v19  }
0x98: {  	v26 =	vmul.f32 v16, v16;
	v15 =	vcvt.s32.f32 v15;
	v29 =	vadd.f32 $2.000000030e-01, v29  }
0x99: {  	v46 =	vsub.f32 $1.000000000e+00, v41;
	v27 =	vmul.f32 v27, v8;
	v19 =	vmul.f32 v19, v30  }
0x9a: {  	v22 =	vadd.f32 $-1.000000000e+00, v22;
	(erf) = vpow2.f32 v25;
	v25 =	vmul.f32 v29, v36  }
0x9b: {  	v59 =	vpop (erf);
	(erf) = vpow2.f32 v21;
	v21 =	vsub.f32 $0.0e+00, v27;
	v27 =	vld [tilespmem:s16+$0x0];
	v62 =	vadd.f32 $2.000000030e-01, v19  }
0x9c: {  	v22 =	vmul.f32 v59, v22;
	v61 =	vmul.f32 $1.111111120e-01, v26;
	v25 =	vadd.f32 $3.333333430e-01, v25  }
0x9d: {  	v18 =	vsub.f32 v9, v18;
	v45 =	vmul.f32 $6.931471820e-01, v15;
	v35 =	vmul.f32 v62, v30  }
0x9e: {  	v63 =	vld [tilespmem:s16+$0x10];
	v24 =	vadd.f32 v24, v24;
	v29 =	vmul.f32 v22, v22;
	v25 =	vmul.f32 v25, v36  }
0x9f: {  	v37 =	vpop (erf);
	(erf) = vpow2.f32 v33;
	v34 =	vadd.f32 $1.428571490e-01, v61;
	v35 =	vadd.f32 $3.333333430e-01, v35  }
0xa0: {  	v44 =	vsub.f32 $1.000000000e+00, v27;
	v39 =	vmul.f32 $1.111111120e-01, v29;
	v25 =	vadd.f32 $1.000000000e+00, v25  }
0xa1: {  	v16 =	vadd.f32 v16, v16;
	v34 =	vmul.f32 v34, v26;
	v30 =	vmul.f32 v35, v30  }
0xa2: {  	(erf) = vrcp.f32 v44;
	v39 =	vadd.f32 $1.428571490e-01, v39;
	v24 =	vmul.f32 v25, v24  }
0xa3: {  	v19 =	vpop (erf);
	v25 =	vadd.f32 $1.000000000e+00, v30;
	v30 =	vmul.f32 $6.931471820e-01, v31;
	v31 =	vsub.f32 $1.000000000e+00, v63  }
0xa4: {  	v18 =	vmul.f32 v18, v10;
	v34 =	vadd.f32 $2.000000030e-01, v34;
	v40 =	vpop (erf);
	(erf) = vrcp.f32 v42  }
0xa5: {  	v20 =	vadd.f32 v20, v20;
	v43 =	vmul.f32 v39, v29;
	(erf) = vrcp.f32 v31  }
0xa6: {  	v18 =	vsub.f32 $0.0e+00, v18;
	v34 =	vmul.f32 v34, v26;
	v22 =	vadd.f32 v22, v22  }
0xa7: {  	v40 =	vadd.f32 $1.000000000e+00, v40;
	v15 =	vpop (erf);
	v35 =	vadd.f32 $2.000000030e-01, v43;
	v25 =	vmul.f32 v25, v20  }
0xa8: {  	v20 =	vadd.f32 v24, v23;
	v23 =	vadd.f32 $1.000000000e+00, v15;
	v24 =	vmul.f32 $1.442695020e+00, v56  }
0xa9: {  	v15 =	vpop (erf);
	v35 =	vmul.f32 v35, v29;
	(erf) = vrcp.f32 v46;
	v25 =	vadd.f32 v25, v30  }
0xaa: {  	v30 =	vadd.f32 $1.000000000e+00, v15;
	v15 =	vmul.f32 $1.442695020e+00, v21;
	(erf) = vpow2.f32 v24  }
0xab: {  	v21 =	vadd.f32 $1.000000000e+00, v37;
	v50 =	vsub.f32 v7, v20;
	(erf) = vpow2.f32 v14;
	v14 =	vpop (erf)  }
0xac: {  	v48 =	vsub.f32 v11, v20;
	v35 =	vadd.f32 $3.333333430e-01, v35;
	(erf) = vpow2.f32 v15;
	v49 =	vpop (erf)  }
0xad: {  	v31 =	vsub.f32 v7, v25;
	v15 =	vmul.f32 $1.442695020e+00, v18;
	v32 =	vmul.f32 v50, v8;
	v18 =	vpop (erf)  }
0xae: {  	v47 =	vsub.f32 v9, v25;
	(erf) = vpow2.f32 v28;
	v27 =	vmul.f32 v49, v27;
	v51 =	vpop (erf)  }
0xaf: {  	v25 =	vsub.f32 v11, v25;
	v24 =	vmul.f32 v31, v8;
	v52 =	vmul.f32 v51, v63  }
0xb0: {  	v31 =	vmul.f32 v48, v12;
	v38 =	vmul.f32 v18, v38;
	v18 =	vadd.f32 $3.333333430e-01, v34  }
0xb1: {  	v28 =	vmul.f32 v47, v10;
	(erf) = vpow2.f32 v15;
	v34 =	vand.u32 $0x7FFFFF, v52  }
0xb2: {  	v14 =	vadd.f32 $1.000000000e+00, v14;
	v26 =	vmul.f32 v18, v26;
	v18 =	vmul.f32 v35, v29  }
0xb3: {  	v25 =	vmul.f32 v25, v12;
	v15 =	vsub.f32 $0.0e+00, v28;
	v53 =	vpop (erf);
	v28 =	vshra.s32 v52, $0x17  }
0xb4: {  	v56 =	vand.u32 $0x7FFFFF, v27;
	v18 =	vadd.f32 $1.000000000e+00, v18;
	v29 =	vor.u32 $0x3F800000, v34;
	v34 =	vpop (erf)  }
0xb5: {  	v27 =	vshra.s32 v27, $0x17;
	v31 =	vsub.f32 $0.0e+00, v31;
	(erf) = vrcp.f32 v21;
	v55 =	vpop (erf)  }
0xb6: {  	v21 =	vadd.s32 $0xFFFFFF81, v28;
	v28 =	vpop (erf);
	(erf) = vrcp.f32 v14;
	v14 =	vmul.f32 v18, v22  }
0xb7: {  	v54 =	vand.u32 $0x7FFFFF, v38;
	v39 =	vor.u32 $0x3F800000, v56;
	v56 =	vsub.f32 $0.0e+00, v25  }
0xb8: {  	v57 =	vadd.f32 $1.000000000e+00, v39;
	v35 =	vor.u32 $0x3F800000, v54;
	v26 =	vadd.f32 $1.000000000e+00, v26  }
0xb9: {  	v31 =	vmul.f32 $1.442695020e+00, v31;
	v59 =	vadd.f32 $1.000000000e+00, v35;
	v18 =	vsub.f32 $0.0e+00, v24;
	v58 =	vpop (erf)  }
0xba: {  	v26 =	vmul.f32 v26, v16;
	v24 =	vadd.f32 $1.000000000e+00, v29;
	v33 =	vadd.f32 v14, v45;
	v14 =	vpop (erf)  }
0xbb: {  	v16 =	vshra.s32 v38, $0x17;
	(erf) = vrcp.f32 v40;
	v14 =	vadd.f32 $1.000000000e+00, v14  }
0xbc: {  	v36 =	vmul.f32 v53, v41;
	v48 =	vadd.s32 $0xFFFFFF81, v16;
	(erf) = vrcp.f32 v24  }
0xbd: {  	v21 =	vcvt.s32.f32 v21;
	v49 =	vadd.f32 v26, v17;
	(erf) = vrcp.f32 v14  }
0xbe: {  	v17 =	vadd.f32 $-1.000000000e+00, v35;
	v26 =	vsub.f32 $0.0e+00, v32;
	(erf) = vrcp.f32 v59  }
0xbf: {  	v22 =	vand.u32 $0x7FFFFF, v36;
	v37 =	vadd.f32 $1.000000000e+00, v55;
	(erf) = vrcp.f32 v57  }
0xc0: {  	v28 =	vadd.f32 $1.000000000e+00, v28;
	v63 =	vadd.f32 $1.000000000e+00, v58;
	(erf) = vpow2.f32 v13  }
0xc1: {  	v24 =	vadd.s32 $0xFFFFFF81, v27;
	v27 =	vsub.f32 v7, v33;
	v14 =	vsub.f32 v9, v33  }
0xc2: {  	v58 =	vmul.f32 $1.442695020e+00, v56;
	v61 =	vpop (erf);
	v13 =	vmul.f32 $6.931471820e-01, v21;
	v21 =	vsub.f32 v11, v33  }
0xc3: {  	v22 =	vor.u32 $0x3F800000, v22;
	v27 =	vmul.f32 v27, v8;
	v60 =	vmul.f32 v14, v10;
	v62 =	vpop (erf)  }
0xc4: {  	v43 =	vadd.f32 $1.000000000e+00, v22;
	v16 =	vpop (erf);
	(erf) = vrcp.f32 v23;
	v21 =	vmul.f32 v21, v12  }
0xc5: {  	v50 =	vpop (erf);
	(erf) = vrcp.f32 v30;
	v30 =	vcvt.s32.f32 v24;
	v24 =	vsub.f32 v11, v49  }
0xc6: {  	(erf) = vrcp.f32 v63;
	v44 =	vsub.f32 $0.0e+00, v21;
	v21 =	vcvt.s32.f32 v48;
	v46 =	vpop (erf)  }
0xc7: {  	v14 =	vsub.f32 $0.0e+00, v27;
	(erf) = vrcp.f32 v43;
	v52 =	vmul.f32 v24, v12;
	v23 =	vpop (erf)  }
0xc8: {  	v27 =	vadd.f32 $-1.000000000e+00, v39;
	(erf) = vrcp.f32 v37;
	v51 =	vmul.f32 v23, v17;
	v17 =	vpop (erf)  }
0xc9: {  	v29 =	vadd.f32 $-1.000000000e+00, v29;
	v55 =	vmul.f32 $1.442695020e+00, v44;
	(erf) = vrcp.f32 v28;
	v53 =	vpop (erf)  }
0xca: {  	v28 =	vshra.s32 v36, $0x17;
	v24 =	vmul.f32 v17, v27;
	v17 =	vadd.f32 $1.000000000e+00, v53  }
0xcb: {  	(erf) = vpow2.f32 v31;
	v27 =	vsub.f32 v9, v20;
	v20 =	vmul.f32 $1.442695020e+00, v26  }
0xcc: {  	v19 =	vadd.f32 $1.000000000e+00, v19;
	v23 =	vmul.f32 v51, v51;
	(erf) = vrcp.f32 v17  }
0xcd: {  	v34 =	vadd.f32 $1.000000000e+00, v34;
	v26 =	vmul.f32 v24, v24;
	v17 =	vmul.f32 v50, v29  }
0xce: {  	s2 =	simm.s32 $0x4A0;
	v36 =	vadd.s32 $0xFFFFFF81, v28;
	v28 =	vpop (erf);
	v57 =	vmul.f32 $1.111111120e-01, v23;
	(erf) = vpow2.f32 v20  }
0xcf: {  	[tilespmem:s2+$0x200] =	vst v61;
	v54 =	vpop (erf);
	v20 =	vsub.f32 $0.0e+00, v60;
	v29 =	vmul.f32 $1.111111120e-01, v26;
	(erf) = vrcp.f32 v19  }
0xd0: {  	v32 =	vsub.f32 v9, v49;
	[tilespmem:s2+$0x0] =	vst v62;
	v61 =	vmul.f32 v27, v10;
	v19 =	vpop (erf);
	(erf) = vpow2.f32 v55  }
0xd1: {  	v25 =	vpop (erf);
	v31 =	vmul.f32 $1.442695020e+00, v20;
	v29 =	vadd.f32 $1.428571490e-01, v29;
	[tilespmem:s2+$0x210] =	vst v19;
	v19 =	vadd.f32 $1.428571490e-01, v57  }
0xd2: {  	v22 =	vadd.f32 $-1.000000000e+00, v22;
	[tilespmem:s2+$0x1F0] =	vst v28;
	v20 =	vmul.f32 v17, v17;
	v28 =	vpop (erf);
	(erf) = vrcp.f32 v34  }
0xd3: {  	v45 =	vsub.f32 v7, v49;
	v30 =	vmul.f32 $6.931471820e-01, v30;
	[tilespmem:s2+$0x10] =	vst v46;
	v59 =	vpop (erf);
	v60 =	vmul.f32 v29, v26  }
0xd4: {  	v33 =	vsub.f32 $0.0e+00, v61;
	v22 =	vmul.f32 v25, v22;
	[tilespmem:s2+$0xFFFFFFF0] =	vst v28;
	v62 =	vmul.f32 $1.111111120e-01, v20;
	v27 =	vpop (erf)  }
0xd5: {  	s1 =	simm.s32 $0x40;
	v29 =	vcvt.s32.f32 v36;
	v36 =	vmul.f32 v19, v23;
	[tilespmem:s2+$0xFFFFFE10] =	vst v59;
	v63 =	vadd.f32 $2.000000030e-01, v60;
	v19 =	vpop (erf)  }
0xd6: {  	s3 =	simm.s32 $0x4E0;
	s5 =	simm.s32 $0x40;
	s16 =	sand.u32 $0x1C0, s4;
	v25 =	vsub.f32 $0.0e+00, v52;
	(erf) = vpow2.f32 v58;
	v35 =	vadd.f32 $1.428571490e-01, v62;
	[tilespmem:s2+$0xFFFFFDE0] =	vst v19  }
0xd7: {  	s15 =	simm.s32 $0xE0;
	s6 =	simm.s32 $0x8;
	s4 =	simm.s32 $0x4E0;
	v34 =	vmul.f32 v45, v8;
	v28 =	vadd.f32 v51, v51;
	v37 =	vmul.f32 v63, v26;
	v19 =	vpop (erf);
	[tilespmem:s16+$0x480] =	vst v54  }
.LBB2_4:
0xd8: {  	v38 =	vld [tilespmem:s15+$0xFFFFFFF0];
	s6 =	sadd.s32 $0x4, s6;
	v39 =	vmul.f32 v22, v22;
	v36 =	vadd.f32 $2.000000030e-01, v36;
	v35 =	vmul.f32 v35, v20;
	s3 =	sadd.s32 $0x40, s3;
	s1 =	sadd.s32 $0x40, s1;
	[tilespmem:s16+$0x680] =	vst v16;
	v16 =	vpop (erf)  }
0xd9: {  	v34 =	vsub.f32 $0.0e+00, v34;
	v40 =	vld [tilespmem:s15+$0x10];
	p1 =	slt.u32 s6, $0x1C;
	v37 =	vadd.f32 $3.333333430e-01, v37;
	(erf) = vpow2.f32 v31;
	v31 =	vpop (erf)  }
0xda: {  	v41 =	vld [tilespmem:s15+$0x0];
	v42 =	vmul.f32 $1.111111120e-01, v39;
	v36 =	vmul.f32 v36, v23;
	v35 =	vadd.f32 $2.000000030e-01, v35  }
0xdb: {  	v24 =	vadd.f32 v24, v24;
	v31 =	vadd.f32 $1.000000000e+00, v31;
	v43 =	vld [tilespmem:s15+$0xFFFFFFE0];
	v26 =	vmul.f32 v37, v26;
	[tilespmem:s2+$0xFFFFFE00] =	vst v16;
	v16 =	vpop (erf)  }
0xdc: {  	v37 =	vadd.f32 $1.428571490e-01, v42;
	v36 =	vadd.f32 $3.333333430e-01, v36;
	v35 =	vmul.f32 v35, v20;
	[tilespmem:s2+$0xFFFFFDF0] =	vst v16;
	s2 =	smov.u32 s4;
	s4 =	smov.u32 s3  }
0xdd: {  	v33 =	vmul.f32 $1.442695020e+00, v33;
	v16 =	vsub.f32 $1.000000000e+00, v38;
	v44 =	vadd.f32 $1.000000000e+00, v26  }
0xde: {  	v42 =	vsub.f32 $1.000000000e+00, v40;
	v37 =	vmul.f32 v37, v39;
	v23 =	vmul.f32 v36, v23  }
0xdf: {  	v36 =	vsub.f32 $1.000000000e+00, v41;
	v24 =	vmul.f32 v44, v24;
	v26 =	vpop (erf);
	(erf) = vpow2.f32 v33  }
0xe0: {  	v45 =	vmul.f32 $6.931471820e-01, v21;
	v33 =	vsub.f32 $1.000000000e+00, v43;
	v44 =	vadd.f32 $1.000000000e+00, v23  }
0xe1: {  	v29 =	vmul.f32 $6.931471820e-01, v29;
	(erf) = vrcp.f32 v36;
	v23 =	vadd.f32 v24, v30  }
0xe2: {  	v24 =	vadd.f32 $1.000000000e+00, v26;
	(erf) = vrcp.f32 v16;
	v16 =	vmul.f32 v44, v28;
	v21 =	vpop (erf)  }
0xe3: {  	v18 =	vmul.f32 $1.442695020e+00, v18;
	(erf) = vrcp.f32 v42;
	v21 =	vadd.f32 $1.000000000e+00, v21  }
0xe4: {  	v15 =	vmul.f32 $1.442695020e+00, v15;
	v26 =	vmul.f32 $1.442695020e+00, v34;
	v16 =	vadd.f32 v16, v45  }
0xe5: {  	v27 =	vadd.f32 $1.000000000e+00, v27;
	v28 =	vmul.f32 v32, v10;
	(erf) = vrcp.f32 v33  }
0xe6: {  	v25 =	vmul.f32 $1.442695020e+00, v25;
	v30 =	vsub.f32 v7, v16;
	v32 =	vsub.f32 v9, v16  }
0xe7: {  	v28 =	vsub.f32 $0.0e+00, v28;
	v33 =	vsub.f32 v11, v23;
	(erf) = vpow2.f32 v18  }
0xe8: {  	v16 =	vsub.f32 v11, v16;
	v18 =	vmul.f32 v30, v8;
	(erf) = vpow2.f32 v15;
	v15 =	vpop (erf)  }
0xe9: {  	v33 =	vmul.f32 v33, v12;
	v30 =	vadd.f32 $2.000000030e-01, v37;
	(erf) = vpow2.f32 v26  }
0xea: {  	v28 =	vmul.f32 $1.442695020e+00, v28;
	v34 =	vadd.f32 $1.000000000e+00, v15;
	v26 =	vpop (erf);
	(erf) = vpow2.f32 v25  }
0xeb: {  	v33 =	vsub.f32 $0.0e+00, v33;
	v25 =	vmul.f32 v32, v10;
	v32 =	vsub.f32 v7, v23;
	v15 =	vpop (erf)  }
0xec: {  	v35 =	vadd.f32 $3.333333430e-01, v35;
	v30 =	vmul.f32 v30, v39;
	v36 =	vmul.f32 v15, v38;
	v15 =	vpop (erf)  }
0xed: {  	v22 =	vadd.f32 v22, v22;
	v32 =	vmul.f32 v32, v8;
	v37 =	vmul.f32 v15, v40  }
0xee: {  	v30 =	vadd.f32 $3.333333430e-01, v30;
	v15 =	vsub.f32 $0.0e+00, v25;
	v38 =	vpop (erf);
	(erf) = vpow2.f32 v28  }
0xef: {  	v35 =	vmul.f32 v35, v20;
	v25 =	vshra.s32 v37, $0x17;
	v28 =	vand.u32 $0x7FFFFF, v37  }
0xf0: {  	v33 =	vmul.f32 $1.442695020e+00, v33;
	v42 =	vmul.f32 v30, v39;
	v28 =	vor.u32 $0x3F800000, v28;
	v20 =	vpop (erf)  }
0xf1: {  	v26 =	vmul.f32 v26, v41;
	v37 =	vand.u32 $0x7FFFFF, v36;
	v39 =	vpop (erf);
	(erf) = vrcp.f32 v27  }
0xf2: {  	v25 =	vadd.s32 $0xFFFFFF81, v25;
	v27 =	vadd.f32 $1.000000000e+00, v42;
	(erf) = vrcp.f32 v34;
	v30 =	vpop (erf)  }
0xf3: {  	v34 =	vmul.f32 v38, v43;
	v38 =	vand.u32 $0x7FFFFF, v26;
	v30 =	vadd.f32 $1.000000000e+00, v30;
	v40 =	vpop (erf)  }
0xf4: {  	v37 =	vor.u32 $0x3F800000, v37;
	v38 =	vor.u32 $0x3F800000, v38;
	v22 =	vmul.f32 v27, v22  }
0xf5: {  	v18 =	vsub.f32 $0.0e+00, v18;
	v27 =	vand.u32 $0x7FFFFF, v34;
	v41 =	vadd.f32 $1.000000000e+00, v38  }
0xf6: {  	v42 =	vadd.f32 $1.000000000e+00, v28;
	v27 =	vor.u32 $0x3F800000, v27;
	v22 =	vadd.f32 v22, v29  }
0xf7: {  	v43 =	vmul.f32 $1.442695020e+00, v14;
	v29 =	vadd.f32 $1.000000000e+00, v27;
	(erf) = vrcp.f32 v31;
	v14 =	vpop (erf)  }
0xf8: {  	v26 =	vshra.s32 v26, $0x17;
	v31 =	vadd.f32 $1.000000000e+00, v37;
	v14 =	vadd.f32 $1.000000000e+00, v14  }
0xf9: {  	v26 =	vadd.s32 $0xFFFFFF81, v26;
	(erf) = vrcp.f32 v42;
	v42 =	vsub.f32 v7, v22  }
0xfa: {  	v28 =	vadd.f32 $-1.000000000e+00, v28;
	v44 =	vsub.f32 v9, v22;
	v45 =	vpop (erf);
	(erf) = vrcp.f32 v14  }
0xfb: {  	(erf) = vrcp.f32 v31;
	v14 =	vmul.f32 v42, v8;
	v31 =	vadd.f32 $1.000000000e+00, v35;
	[tilespmem:s2+$0x200] =	vst v45;
	v35 =	vpop (erf)  }
0xfc: {  	v25 =	vcvt.s32.f32 v25;
	v39 =	vadd.f32 $1.000000000e+00, v39;
	v42 =	vmul.f32 v44, v10;
	[tilespmem:s2+$0x0] =	vst v35  }
0xfd: {  	v17 =	vadd.f32 v17, v17;
	(erf) = vrcp.f32 v41;
	v14 =	vsub.f32 $0.0e+00, v14  }
0xfe: {  	v25 =	vmul.f32 $6.931471820e-01, v25;
	v22 =	vsub.f32 v11, v22;
	(erf) = vpow2.f32 v43  }
0xff: {  	v35 =	vadd.f32 $-1.000000000e+00, v38;
	v38 =	vmul.f32 v16, v12;
	v17 =	vmul.f32 v31, v17  }
0x100: {  	v22 =	vmul.f32 v22, v12;
	v31 =	vshra.s32 v36, $0x17;
	v36 =	vadd.f32 $1.000000000e+00, v40;
	v16 =	vpop (erf)  }
0x101: {  	v31 =	vadd.s32 $0xFFFFFF81, v31;
	v40 =	vadd.f32 v17, v13;
	v13 =	vmovc v25;
	(erf) = vrcp.f32 v24  }
0x102: {  	v27 =	vadd.f32 $-1.000000000e+00, v27;
	v17 =	vadd.f32 $-1.000000000e+00, v37;
	v25 =	vpop (erf);
	(erf) = vrcp.f32 v21  }
0x103: {  	v41 =	vcvt.s32.f32 v26;
	v22 =	vsub.f32 $0.0e+00, v22;
	v37 =	vsub.f32 v7, v40;
	v24 =	vpop (erf)  }
0x104: {  	v21 =	vcvt.s32.f32 v31;
	v31 =	vsub.f32 v11, v40;
	v26 =	vpop (erf);
	[tilespmem:s2+$0x10] =	vst v24;
	(erf) = vrcp.f32 v36  }
0x105: {  	v19 =	vadd.f32 $1.000000000e+00, v19;
	v36 =	vmul.f32 v26, v17;
	(erf) = vrcp.f32 v29  }
0x106: {  	v26 =	vsub.f32 $0.0e+00, v32;
	v29 =	vsub.f32 v9, v23;
	v17 =	vpop (erf);
	(erf) = vrcp.f32 v39  }
0x107: {  	v31 =	vmul.f32 v31, v12;
	v32 =	vshra.s32 v34, $0x17;
	v34 =	vpop (erf);
	(erf) = vrcp.f32 v30  }
0x108: {  	v23 =	vmul.f32 v36, v36;
	v24 =	vmul.f32 v17, v35;
	v17 =	vadd.f32 $1.000000000e+00, v34  }
0x109: {  	v30 =	vadd.s32 $0xFFFFFF81, v32;
	v32 =	vmul.f32 $1.442695020e+00, v26;
	(erf) = vpow2.f32 v33  }
0x10a: {  	v26 =	vmul.f32 v24, v24;
	v33 =	vsub.f32 $0.0e+00, v38;
	(erf) = vrcp.f32 v17;
	v34 =	vpop (erf)  }
0x10b: {  	v17 =	vmul.f32 v25, v28;
	v28 =	vsub.f32 $0.0e+00, v42;
	(erf) = vpow2.f32 v32;
	[tilespmem:s2+$0x1F0] =	vst v34;
	v38 =	vpop (erf)  }
0x10c: {  	v22 =	vmul.f32 $1.442695020e+00, v22;
	v25 =	vsub.f32 $0.0e+00, v31;
	v32 =	vmul.f32 $1.111111120e-01, v26  }
0x10d: {  	v35 =	vadd.f32 $1.000000000e+00, v20;
	v34 =	vmul.f32 $1.111111120e-01, v23;
	(erf) = vrcp.f32 v19;
	v19 =	vpop (erf)  }
0x10e: {  	v31 =	vmul.f32 $1.442695020e+00, v28;
	v32 =	vadd.f32 $1.428571490e-01, v32;
	v20 =	vpop (erf);
	(erf) = vpow2.f32 v22;
	[tilespmem:s2+$0x210] =	vst v19  }
0x10f: {  	v19 =	vadd.f32 $1.428571490e-01, v34;
	v22 =	vmul.f32 v20, v27;
	v20 =	vmul.f32 v17, v17;
	v27 =	vpop (erf)  }
0x110: {  	v39 =	vmul.f32 $1.442695020e+00, v33;
	[tilespmem:s2+$0xFFFFFFF0] =	vst v27;
	(erf) = vrcp.f32 v35;
	v27 =	vpop (erf)  }
.Ltmp2:
0x111: {  	v33 =	vmul.f32 v29, v10;
	v42 =	vmul.f32 v32, v26;
	[tilespmem:s2+$0xFFFFFE10] =	vst v27;
	(pc) =	sbr.rel @p1 .LBB2_4-.Ltmp2, $4  }
0x112: {  	v28 =	vadd.f32 v36, v36;
	v34 =	vmul.f32 v37, v8;
	v35 =	vmul.f32 $1.111111120e-01, v20;
	v27 =	vpop (erf)  }
0x113: {  	v29 =	vcvt.s32.f32 v30;
	v36 =	vmul.f32 v19, v23;
	v30 =	vadd.f32 $2.000000030e-01, v42;
	v32 =	vpop (erf)  }
0x114: {  	s16 =	sand.u32 $0x1C0, s5;
	s5 =	smov.u32 s1;
	v33 =	vsub.f32 $0.0e+00, v33;
	v35 =	vadd.f32 $1.428571490e-01, v35;
	(erf) = vpow2.f32 v39;
	v19 =	vpop (erf);
	[tilespmem:s2+$0xFFFFFDE0] =	vst v32  }
0x115: {  	s15 =	sadd.s32 $0x40, s15;
	v37 =	vmul.f32 v30, v26;
	v30 =	vmul.f32 $6.931471820e-01, v41;
	v32 =	vsub.f32 v9, v40;
	[tilespmem:s16+$0x480] =	vst v38  }
0x116: {  	v38 =	vmul.f32 v22, v22  }
0x117: {  	(erf) = vpow2.f32 v31;
	v33 =	vmul.f32 $1.442695020e+00, v33  }
0x118: {  	v18 =	vmul.f32 $1.442695020e+00, v18;
	v15 =	vmul.f32 $1.442695020e+00, v15  }
0x119: {  	v25 =	vmul.f32 $1.442695020e+00, v25;
	v52 =	vmul.f32 v35, v20  }
0x11a: {  	v34 =	vsub.f32 $0.0e+00, v34;
	v21 =	vmul.f32 $6.931471820e-01, v21;
	v32 =	vmul.f32 v32, v10  }
0x11b: {  	v36 =	vadd.f32 $2.000000030e-01, v36;
	v39 =	vmul.f32 $1.111111120e-01, v38;
	(erf) = vpow2.f32 v33  }
0x11c: {  	v47 =	vmul.f32 $1.442695020e+00, v34;
	v32 =	vsub.f32 $0.0e+00, v32;
	(erf) = vpow2.f32 v18  }
0x11d: {  	v48 =	vadd.f32 $3.333333430e-01, v37;
	v45 =	vmul.f32 v36, v23;
	(erf) = vpow2.f32 v15  }
0x11e: {  	v24 =	vadd.f32 v24, v24;
	(erf) = vpow2.f32 v47;
	v32 =	vmul.f32 $1.442695020e+00, v32  }
0x11f: {  	v27 =	vadd.f32 $1.000000000e+00, v27;
	v26 =	vmul.f32 v48, v26;
	v15 =	vpop (erf);
	(erf) = vpow2.f32 v25  }
0x120: {  	v60 =	vadd.f32 v22, v22;
	v39 =	vadd.f32 $1.428571490e-01, v39;
	v49 =	vpop (erf);
	(erf) = vpow2.f32 v32  }
0x121: {  	v29 =	vmul.f32 $6.931471820e-01, v29;
	v31 =	vadd.f32 $3.333333430e-01, v45;
	v26 =	vadd.f32 $1.000000000e+00, v26;
	v18 =	vpop (erf)  }
0x122: {  	v17 =	vadd.f32 v17, v17;
	v19 =	vadd.f32 $1.000000000e+00, v19;
	v46 =	vmul.f32 v39, v38;
	v53 =	vpop (erf)  }
0x123: {  	v50 =	vmul.f32 v31, v23;
	v32 =	vadd.f32 $2.000000030e-01, v52;
	v24 =	vmul.f32 v26, v24;
	v54 =	vpop (erf)  }
0x124: {  	v14 =	vmul.f32 $1.442695020e+00, v14;
	v25 =	vadd.f32 $1.000000000e+00, v49;
	v51 =	vadd.f32 $2.000000030e-01, v46;
	v55 =	vpop (erf)  }
0x125: {  	v23 =	vadd.f32 $1.000000000e+00, v50;
	v24 =	vadd.f32 v24, v30;
	v32 =	vmul.f32 v32, v20;
	v33 =	vpop (erf)  }
0x126: {  	v56 =	vadd.f32 $1.000000000e+00, v53;
	v31 =	vmul.f32 v51, v38;
	v26 =	vadd.f32 $1.000000000e+00, v54;
	v58 =	vpop (erf)  }
0x127: {  	v23 =	vmul.f32 v23, v28;
	v42 =	vsub.f32 v11, v24;
	v44 =	vadd.f32 $3.333333430e-01, v32;
	v59 =	vpop (erf)  }
0x128: {  	(erf) = vrcp.f32 v27;
	v47 =	vsub.f32 v7, v24;
	v28 =	vadd.f32 $1.000000000e+00, v55;
	v61 =	vpop (erf)  }
0x129: {  	v31 =	vadd.f32 $3.333333430e-01, v31;
	v21 =	vadd.f32 v23, v21;
	v45 =	vmul.f32 v42, v12;
	v40 =	vpop (erf)  }
0x12a: {  	v48 =	vmul.f32 v44, v20;
	(erf) = vrcp.f32 v28;
	v41 =	vadd.f32 $1.000000000e+00, v40  }
0x12b: {  	v24 =	vsub.f32 v9, v24;
	v57 =	vmul.f32 v31, v38;
	(erf) = vrcp.f32 v25  }
0x12c: {  	v62 =	vsub.f32 v7, v21;
	v63 =	vsub.f32 v9, v21;
	(erf) = vrcp.f32 v41  }
0x12d: {  	v46 =	vsub.f32 v11, v21;
	v53 =	vadd.f32 $1.000000000e+00, v58;
	(erf) = vpow2.f32 v14  }
0x12e: {  	v21 =	vmul.f32 v47, v8;
	v20 =	vadd.f32 $1.000000000e+00, v48;
	v23 =	vadd.f32 $1.000000000e+00, v57  }
0x12f: {  	v51 =	vadd.f32 $1.000000000e+00, v59;
	v43 =	vmul.f32 v62, v8;
	v49 =	vmul.f32 v63, v10  }
0x130: {  	v35 =	vadd.f32 $1.000000000e+00, v61;
	v21 =	vsub.f32 $0.0e+00, v21;
	v22 =	vmul.f32 v23, v60  }
0x131: {  	v61 =	vmul.f32 v24, v10;
	v17 =	vmul.f32 v20, v17;
	v23 =	vsub.f32 $0.0e+00, v45  }
0x132: {  	v25 =	vsub.f32 $0.0e+00, v43;
	v21 =	vmul.f32 $1.442695020e+00, v21;
	v22 =	vadd.f32 v22, v29;
	v34 =	vpop (erf)  }
0x133: {  	v13 =	vadd.f32 v17, v13;
	v23 =	vmul.f32 $1.442695020e+00, v23;
	(erf) = vrcp.f32 v56;
	v20 =	vpop (erf)  }
0x134: {  	v14 =	vmul.f32 v46, v12;
	v52 =	vsub.f32 v11, v22;
	(erf) = vrcp.f32 v26;
	v31 =	vpop (erf)  }
0x135: {  	v60 =	vadd.f32 $1.000000000e+00, v33;
	v40 =	vmul.f32 $1.442695020e+00, v25;
	(erf) = vrcp.f32 v35;
	v26 =	vpop (erf)  }
0x136: {  	v55 =	vsub.f32 v11, v13;
	v32 =	vmul.f32 v52, v12;
	(erf) = vrcp.f32 v53;
	v56 =	vpop (erf)  }
0x137: {  	v50 =	vsub.f32 v9, v22;
	(erf) = vrcp.f32 v51;
	v57 =	vadd.f32 $1.000000000e+00, v56  }
0x138: {  	v11 =	vmul.f32 v55, v12;
	v54 =	vsub.f32 $0.0e+00, v32;
	(erf) = vpow2.f32 v23  }
0x139: {  	v58 =	vsub.f32 $0.0e+00, v14;
	v28 =	vmul.f32 v50, v10;
	(erf) = vrcp.f32 v57  }
0x13a: {  	v62 =	vsub.f32 v7, v13;
	v17 =	vmul.f32 $1.442695020e+00, v54;
	(erf) = vpow2.f32 v21  }
0x13b: {  	v12 =	vmul.f32 $1.442695020e+00, v58;
	v59 =	vsub.f32 $0.0e+00, v28;
	(erf) = vrcp.f32 v19  }
0x13c: {  	v23 =	vmul.f32 v62, v8;
	v63 =	vpop (erf);
	v19 =	vsub.f32 $0.0e+00, v61;
	(erf) = vpow2.f32 v17  }
0x13d: {  	v35 =	vsub.f32 v9, v13;
	v14 =	vmul.f32 $1.442695020e+00, v59;
	v33 =	vpop (erf);
	(erf) = vrcp.f32 v60  }
0x13e: {  	v36 =	vsub.f32 $0.0e+00, v49;
	v37 =	vpop (erf);
	v38 =	vmul.f32 $1.442695020e+00, v19;
	(erf) = vpow2.f32 v12  }
0x13f: {  	v9 =	vmul.f32 v35, v10;
	v23 =	vsub.f32 $0.0e+00, v23;
	v39 =	vpop (erf);
	(erf) = vpow2.f32 v14  }
0x140: {  	v41 =	vsub.f32 $0.0e+00, v11;
	v42 =	vpop (erf);
	v12 =	vmul.f32 $1.442695020e+00, v36;
	(erf) = vpow2.f32 v38  }
0x141: {  	v9 =	vsub.f32 $0.0e+00, v9;
	v23 =	vmul.f32 $1.442695020e+00, v23;
	v43 =	vpop (erf);
	(erf) = vpow2.f32 v40  }
0x142: {  	v10 =	vmul.f32 $1.442695020e+00, v41;
	v44 =	vpop (erf);
	(erf) = vpow2.f32 v12  }
0x143: {  	v9 =	vmul.f32 $1.442695020e+00, v9;
	v45 =	vpop (erf);
	(erf) = vpow2.f32 v23  }
0x144: {  	v46 =	vpop (erf);
	(erf) = vpow2.f32 v10  }
0x145: {  	v47 =	vpop (erf);
	(erf) = vpow2.f32 v9  }
0x146: {  	v48 =	vpop (erf)  }
0x147: {  	v49 =	vpop (erf)  }
0x148: {  	v7 =	vsub.f32 v7, v22;
	v50 =	vpop (erf)  }
0x149: {  	v51 =	vpop (erf)  }
0x14a: {  	v7 =	vmul.f32 v7, v8;
	v8 =	vadd.f32 $1.000000000e+00, v43;
	v52 =	vpop (erf)  }
0x14b: {  	v53 =	vpop (erf)  }
0x14c: {  	v54 =	vpop (erf)  }
0x14d: {  	v28 =	vadd.f32 $1.000000000e+00, v51;
	v55 =	vpop (erf)  }
0x14e: {  	v7 =	vsub.f32 $0.0e+00, v7;
	v10 =	vadd.f32 $1.000000000e+00, v47;
	(erf) = vrcp.f32 v8;
	v8 =	vpop (erf)  }
0x14f: {  	(erf) = vrcp.f32 v28;
	v8 =	vadd.f32 $1.000000000e+00, v8  }
0x150: {  	v7 =	vmul.f32 $1.442695020e+00, v7;
	(erf) = vrcp.f32 v10  }
0x151: {  	(erf) = vrcp.f32 v8  }
0x152: {  	[tilespmem:s16+$0x680] =	vst v16;
	(erf) = vpow2.f32 v7  }
0x153: {  	[tilespmem:s2+$0xFFFFFE00] =	vst v15  }
0x154: {  	[tilespmem:s2+$0xFFFFFDF0] =	vst v18  }
0x155: {  	[tilespmem:s4+$0x200] =	vst v34  }
0x156: {  	[tilespmem:s4+$0x0] =	vst v20  }
0x157: {  	[tilespmem:s4+$0x10] =	vst v26;
	v7 =	vadd.f32 $1.000000000e+00, v49;
	v8 =	vpop (erf)  }
0x158: {  	[tilespmem:s4+$0x1F0] =	vst v63;
	v56 =	vadd.f32 $1.000000000e+00, v50;
	v57 =	vpop (erf)  }
0x159: {  	[tilespmem:s4+$0x210] =	vst v37;
	v58 =	vadd.f32 $1.000000000e+00, v55;
	(erf) = vrcp.f32 v7;
	v59 =	vpop (erf)  }
0x15a: {  	[tilespmem:s4+$0xFFFFFFF0] =	vst v39;
	v7 =	vadd.f32 $1.000000000e+00, v53;
	(erf) = vrcp.f32 v56;
	v60 =	vpop (erf)  }
0x15b: {  	[tilespmem:s4+$0xFFFFFE10] =	vst v42;
	v61 =	vadd.f32 $1.000000000e+00, v54;
	(erf) = vrcp.f32 v58;
	v62 =	vpop (erf)  }
0x15c: {  	s15 =	sand.u32 $0x1C0, s5;
	[tilespmem:s4+$0xFFFFFDE0] =	vst v44;
	(erf) = vrcp.f32 v7;
	v7 =	vadd.f32 $1.000000000e+00, v62  }
0x15d: {  	[tilespmem:s15+$0x480] =	vst v33;
	(erf) = vrcp.f32 v61  }
0x15e: {  	[tilespmem:s15+$0x680] =	vst v31;
	(erf) = vrcp.f32 v7;
	v7 =	vadd.f32 $1.000000000e+00, v45  }
0x15f: {  	[tilespmem:s4+$0xFFFFFE00] =	vst v46  }
0x160: {  	s16 =	sadd.s32 $0x40, s3;
	[tilespmem:s4+$0xFFFFFDF0] =	vst v48;
	v63 =	vadd.f32 $1.000000000e+00, v52  }
0x161: {  	[tilespmem:s16+$0x200] =	vst v8;
	(erf) = vrcp.f32 v7  }
0x162: {  	[tilespmem:s16+$0x0] =	vst v57;
	v7 =	vpop (erf);
	(erf) = vrcp.f32 v63  }
0x163: {  	[tilespmem:s16+$0x10] =	vst v60;
	v8 =	vpop (erf)  }
0x164: {  	[tilespmem:s16+$0x1F0] =	vst v7;
	v7 =	vpop (erf)  }
0x165: {  	[tilespmem:s16+$0x210] =	vst v7;
	v7 =	vpop (erf)  }
0x166: {  	[tilespmem:s16+$0xFFFFFFF0] =	vst v7;
	v7 =	vpop (erf)  }
0x167: {  	s1 =	sadd.s32 $0x40, s1;
	[tilespmem:s16+$0xFFFFFE10] =	vst v7;
	v7 =	vpop (erf)  }
0x168: {  	s1 =	sand.u32 $0x1C0, s1;
	[tilespmem:s16+$0xFFFFFDE0] =	vst v7  }
0x169: {  	[tilespmem:s1+$0x480] =	vst v8  }
0x16a: {  	[tilespmem:s1+$0x680] =	vst v59;
	v7 =	vpop (erf)  }
0x16b: {  	[tilespmem:s16+$0xFFFFFE00] =	vst v7;
	v7 =	vpop (erf)  }
0x16c: {  	[tilespmem:s16+$0xFFFFFDF0] =	vst v7  }
0x16d: {  	[spmem:s9] =	stream.linear.scatter [tilespmem:s30], [sflag:$0x9], $0x600, $0x38;
	[tilespmem:$0x10E0] =	vst v63  }
0x16e: {  	_ =	swait.ge [sflag:s31], $0x600  }
0x16f: {  	[sflag:s31] =	ssyncset.done $0x0  }
0x170: {  	[sflag:s31] =	ssyncadd.s32 $0xFFFFFA00  }
0x171: {  	[bflag:$0x0] =	sbarrier.arrive $0xFFFF  }
.LBB2_6:
0x172: {  	s1 =	simm.s32 $0x91  }
0x173: {  	s2 =	simm.s32 $0x92;
	v7 =	vadd.s32 s1, v6  }
0x174: {  	s15 =	simm.s32 $0x90;
	v8 =	vadd.s32 s2, v6  }
0x175: {  	_ =	swait.ge [sflag:s8], $0x600;
	s16 =	simm.s32 $0x1;
	v9 =	vadd.s32 s15, v6  }
0x176: {  	s3 =	simm.s32 $0x61;
	[sflag:s8] =	ssyncset.done $0x0;
	v10 =	vadd.s32 s16, v6  }
0x177: {  	s4 =	simm.s32 $0x0;
	v12 =	vadd.s32 s3, v6;
	[sflag:s8] =	ssyncadd.s32 $0xFFFFFA00  }
0x178: {  	s6 =	simm.s32 $0x60;
	v13 =	vor.u32 s4, v6;
	v7 =	vld.idx.msk [tilespmem:v7+s14+$0x0], $0xffff  }
0x179: {  	s2 =	simm.s32 $0x31;
	v15 =	vadd.s32 s6, v6;
	v8 =	vld.idx.msk [tilespmem:v8+s14+$0x0], $0xffff  }
0x17a: {  	s5 =	simm.s32 $0x30;
	v11 =	vadd.s32 s2, v6;
	v9 =	vld.idx.msk [tilespmem:v9+s14+$0x0], $0xffff  }
0x17b: {  	v14 =	vadd.s32 s5, v6;
	s15 =	simm.s32 $0x2;
	v10 =	vld.idx.msk [tilespmem:v10+s14+$0x0], $0xffff  }
0x17c: {  	s6 =	simm.s32 $0xC1;
	v16 =	vadd.s32 s15, v6;
	v12 =	vld.idx.msk [tilespmem:v12+s14+$0x0], $0xffff  }
0x17d: {  	v22 =	vadd.s32 s6, v6;
	v13 =	vld.idx.msk [tilespmem:v13+s14+$0x0], $0xffff  }
0x17e: {  	s16 =	simm.s32 $0x32;
	v15 =	vld.idx.msk [tilespmem:v15+s14+$0x0], $0xffff  }
0x17f: {  	v17 =	vadd.s32 s16, v6;
	s2 =	simm.s32 $0x62;
	v11 =	vld.idx.msk [tilespmem:v11+s14+$0x0], $0xffff  }
0x180: {  	v18 =	vadd.s32 s2, v6;
	v14 =	vld.idx.msk [tilespmem:v14+s14+$0x0], $0xffff  }
0x181: {  	v16 =	vld.idx.msk [tilespmem:v16+s14+$0x0], $0xffff  }
0x182: {  	v22 =	vld.idx.msk [tilespmem:v22+s14+$0x0], $0xffff;
	v7 =	vadd.s32 $0x200, v7  }
0x183: {  	v8 =	vadd.s32 $0x400, v8;
	v19 =	vld.idx.msk [tilespmem:v9+s30+$0x0], $0xffff  }
0x184: {  	v10 =	vadd.s32 $0x200, v10;
	v9 =	vadd.s32 $0x200, v11;
	v11 =	vadd.s32 $0x200, v12;
	v12 =	vld.idx.msk [tilespmem:v17+s14+$0x0], $0xffff  }
0x185: {  	v17 =	vld.idx.msk [tilespmem:v18+s14+$0x0], $0xffff  }
0x186: {  	v21 =	vld.idx.msk [tilespmem:v15+s30+$0x0], $0xffff  }
0x187: {  	v7 =	vld.idx.msk [tilespmem:v7+s30+$0x0], $0xffff  }
0x188: {  	s5 =	simm.s32 $0x150;
	v8 =	vld.idx.msk [tilespmem:v8+s30+$0x0], $0xffff  }
0x189: {  	v15 =	vadd.s32 s5, v6;
	v18 =	vld.idx.msk [tilespmem:v10+s30+$0x0], $0xffff  }
0x18a: {  	v10 =	vadd.s32 $0x400, v16;
	v16 =	vld.idx.msk [tilespmem:v9+s30+$0x0], $0xffff  }
0x18b: {  	s3 =	simm.s32 $0x151;
	v20 =	vld.idx.msk [tilespmem:v11+s30+$0x0], $0xffff;
	v9 =	vadd.s32 $0x400, v12  }
0x18c: {  	s6 =	simm.s32 $0xC2;
	v12 =	vld.idx.msk [tilespmem:v13+s30+$0x0], $0xffff;
	v11 =	vadd.s32 s3, v6  }
0x18d: {  	s4 =	simm.s32 $0x152;
	v28 =	vadd.s32 s6, v6;
	v13 =	vld.idx.msk [tilespmem:v14+s30+$0x0], $0xffff  }
0x18e: {  	v14 =	vadd.s32 s4, v6;
	v15 =	vld.idx.msk [tilespmem:v15+s14+$0x0], $0xffff  }
0x18f: {  	s15 =	simm.s32 $0xF1;
	v22 =	vadd.s32 $0x200, v22;
	v23 =	vld.idx.msk [tilespmem:v10+s30+$0x0], $0xffff  }
0x190: {  	s16 =	simm.s32 $0x121;
	v10 =	vadd.s32 s15, v6;
	v24 =	vld.idx.msk [tilespmem:v9+s30+$0x0], $0xffff  }
0x191: {  	s4 =	simm.s32 $0xF0;
	v9 =	vadd.s32 s16, v6;
	v25 =	vld.idx.msk [tilespmem:v11+s14+$0x0], $0xffff  }
0x192: {  	v61 =	vld.idx.msk [tilespmem:v28+s14+$0x0], $0xffff;
	v26 =	vadd.s32 s4, v6;
	v7 =	vmul.f32 v7, v19  }
0x193: {  	s3 =	simm.s32 $0xC0;
	v14 =	vld.idx.msk [tilespmem:v14+s14+$0x0], $0xffff  }
0x194: {  	s5 =	simm.s32 $0x120;
	v7 =	vmul.f32 v8, v7;
	v11 =	vor.u32 s3, v6;
	v8 =	vmul.f32 v16, v13;
	v13 =	vld.idx.msk [tilespmem:v22+s30+$0x0], $0xffff  }
0x195: {  	v27 =	vadd.s32 s5, v6;
	v29 =	vld.idx.msk [tilespmem:v10+s14+$0x0], $0xffff  }
0x196: {  	s15 =	simm.s32 $0xF2;
	v30 =	vld.idx.msk [tilespmem:v9+s14+$0x0], $0xffff;
	v25 =	vadd.s32 $0x200, v25  }
0x197: {  	v31 =	vadd.s32 s15, v6;
	v10 =	vld.idx.msk [tilespmem:v26+s14+$0x0], $0xffff  }
0x198: {  	s16 =	simm.s32 $0x122;
	v62 =	vld.idx.msk [tilespmem:v15+s30+$0x0], $0xffff;
	v14 =	vadd.s32 $0x400, v14  }
0x199: {  	v60 =	vadd.s32 s16, v6;
	v11 =	vld.idx.msk [tilespmem:v11+s14+$0x0], $0xffff  }
0x19a: {  	v9 =	vld.idx.msk [tilespmem:v27+s14+$0x0], $0xffff;
	v19 =	vadd.s32 $0x200, v29  }
0x19b: {  	v12 =	vmul.f32 v18, v12;
	v25 =	vld.idx.msk [tilespmem:v25+s30+$0x0], $0xffff;
	v63 =	vadd.s32 $0x200, v30  }
0x19c: {  	v18 =	vld.idx.msk [tilespmem:v31+s14+$0x0], $0xffff  }
0x19d: {  	s1 =	simm.s32 $0xEA0;
	v12 =	vmul.f32 v23, v12;
	v16 =	vld.idx.msk [tilespmem:v14+s30+$0x0], $0xffff  }
0x19e: {  	[tilespmem:s1+$0x10] =	vst v7;
	v15 =	vld.idx.msk [tilespmem:v60+s14+$0x0], $0xffff;
	v14 =	vmul.f32 v24, v8  }
0x19f: {  	[tilespmem:s1+$0xFFFFFFE0] =	vst v12;
	v8 =	vadd.s32 $0x400, v17;
	v17 =	vadd.s32 $0x400, v61;
	v12 =	vld.idx.msk [tilespmem:v19+s30+$0x0], $0xffff  }
0x1a0: {  	s2 =	simm.s32 $0xEA0;
	s4 =	simm.s32 $0x212;
	s3 =	simm.s32 $0x4;
	v7 =	vmul.f32 v20, v21;
	[tilespmem:s1+$0xFFFFFFF0] =	vst v14;
	v14 =	vld.idx.msk [tilespmem:v63+s30+$0x0], $0xffff;
	v19 =	vmul.f32 v25, v62  }
.LBB2_7:
0x1a1: {  	s5 =	sadd.s32 $0xFFFFFF6F, s4;
	s6 =	sadd.s32 $0xFFFFFFFF, s4;
	s3 =	sadd.s32 $0x4, s3;
	v11 =	vld.idx.msk [tilespmem:v11+s30+$0x0], $0xffff;
	v18 =	vadd.s32 $0x400, v18  }
0x1a2: {  	s15 =	sadd.s32 $0xFFFFFFCF, s4;
	v20 =	vadd.s32 s5, v6;
	s5 =	sadd.s32 $0xFFFFFF9F, s4;
	v21 =	vadd.s32 s6, v6;
	p1 =	slt.u32 s3, $0x1C;
	v10 =	vld.idx.msk [tilespmem:v10+s30+$0x0], $0xffff;
	v16 =	vmul.f32 v16, v19  }
0x1a3: {  	v23 =	vadd.s32 s4, v6;
	s1 =	sadd.s32 $0x40, s1;
	s6 =	sadd.s32 $0xFFFFFF9E, s4;
	v22 =	vadd.s32 s15, v6;
	v19 =	vadd.s32 s5, v6;
	s5 =	sadd.s32 $0xFFFFFFFE, s4;
	v9 =	vld.idx.msk [tilespmem:v9+s30+$0x0], $0xffff  }
0x1a4: {  	s16 =	sadd.s32 $0xFFFFFF70, s4;
	s15 =	sadd.s32 $0xFFFFFF6E, s4;
	v15 =	vadd.s32 $0x400, v15;
	v24 =	vadd.s32 s6, v6;
	s6 =	sadd.s32 $0xFFFFFFCE, s4;
	v25 =	vadd.s32 s5, v6;
	v17 =	vld.idx.msk [tilespmem:v17+s30+$0x0], $0xffff;
	[tilespmem:s1+$0x10] =	vst v16  }
0x1a5: {  	v26 =	vadd.s32 s16, v6;
	v16 =	vor.u32 s15, v6;
	s5 =	sadd.s32 $0xFFFFFFA0, s4;
	v27 =	vadd.s32 s6, v6;
	s6 =	sadd.s32 $0xFFFFFFD0, s4;
	v28 =	vld.idx.msk [tilespmem:v8+s30+$0x0], $0xffff;
	v8 =	vmovc v15  }
0x1a6: {  	v15 =	vadd.s32 s5, v6;
	v29 =	vadd.s32 s6, v6;
	v18 =	vld.idx.msk [tilespmem:v18+s30+$0x0], $0xffff  }
0x1a7: {  	v11 =	vmul.f32 v13, v11;
	v21 =	vld.idx.msk [tilespmem:v21+s14+$0x0], $0xffff  }
0x1a8: {  	v10 =	vmul.f32 v12, v10;
	v13 =	vld.idx.msk [tilespmem:v23+s14+$0x0], $0xffff  }
0x1a9: {  	v9 =	vmul.f32 v14, v9;
	v12 =	vld.idx.msk [tilespmem:v25+s14+$0x0], $0xffff  }
0x1aa: {  	v11 =	vmul.f32 v17, v11;
	v14 =	vld.idx.msk [tilespmem:v20+s14+$0x0], $0xffff  }
0x1ab: {  	v17 =	vld.idx.msk [tilespmem:v19+s14+$0x0], $0xffff;
	v19 =	vmul.f32 v28, v7;
	v7 =	vmov v9  }
0x1ac: {  	v9 =	vmul.f32 v18, v10;
	v20 =	vld.idx.msk [tilespmem:v22+s14+$0x0], $0xffff;
	[tilespmem:s1+$0xFFFFFFE0] =	vst v11  }
0x1ad: {  	v11 =	vld.idx.msk [tilespmem:v16+s14+$0x0], $0xffff;
	v16 =	vadd.s32 $0x200, v21;
	[tilespmem:s2+$0x0] =	vst v19;
	s2 =	smov.u32 s1  }
0x1ae: {  	v10 =	vld.idx.msk [tilespmem:v24+s14+$0x0], $0xffff;
	[tilespmem:s1+$0xFFFFFFF0] =	vst v9  }
0x1af: {  	v13 =	vadd.s32 $0x400, v13;
	v9 =	vld.idx.msk [tilespmem:v27+s14+$0x0], $0xffff  }
0x1b0: {  	v14 =	vadd.s32 $0x200, v14;
	v19 =	vld.idx.msk [tilespmem:v26+s14+$0x0], $0xffff  }
0x1b1: {  	v21 =	vadd.s32 $0x200, v17;
	v22 =	vld.idx.msk [tilespmem:v12+s30+$0x0], $0xffff  }
0x1b2: {  	v20 =	vadd.s32 $0x200, v20;
	v23 =	vld.idx.msk [tilespmem:v16+s30+$0x0], $0xffff  }
0x1b3: {  	v18 =	vld.idx.msk [tilespmem:v15+s14+$0x0], $0xffff  }
.Ltmp3:
0x1b4: {  	v16 =	vld.idx.msk [tilespmem:v13+s30+$0x0], $0xffff;
	(pc) =	sbr.rel @p1 .LBB2_7-.Ltmp3, $4  }
0x1b5: {  	v15 =	vld.idx.msk [tilespmem:v29+s14+$0x0], $0xffff  }
0x1b6: {  	v17 =	vadd.s32 $0x400, v19;
	v13 =	vld.idx.msk [tilespmem:v14+s30+$0x0], $0xffff  }
0x1b7: {  	v12 =	vld.idx.msk [tilespmem:v21+s30+$0x0], $0xffff  }
0x1b8: {  	s4 =	sadd.s32 $0xC0, s4;
	v19 =	vmul.f32 v23, v22;
	v14 =	vld.idx.msk [tilespmem:v20+s30+$0x0], $0xffff  }
0x1b9: {  	_ =	sdelay $0x3  }
0x1ba: {  	v11 =	vld.idx.msk [tilespmem:v11+s30+$0x0], $0xffff;
	v18 =	vadd.s32 $0x400, v18  }
0x1bb: {  	v10 =	vld.idx.msk [tilespmem:v10+s30+$0x0], $0xffff;
	v15 =	vadd.s32 $0x400, v15  }
0x1bc: {  	v9 =	vld.idx.msk [tilespmem:v9+s30+$0x0], $0xffff  }
0x1bd: {  	v8 =	vld.idx.msk [tilespmem:v8+s30+$0x0], $0xffff  }
0x1be: {  	v17 =	vld.idx.msk [tilespmem:v17+s30+$0x0], $0xffff  }
0x1bf: {  	v18 =	vld.idx.msk [tilespmem:v18+s30+$0x0], $0xffff  }
0x1c0: {  	v62 =	vld.idx.msk [tilespmem:v15+s30+$0x0], $0xffff  }
0x1c1: {  	v63 =	vmul.f32 v16, v19;
	v11 =	vmul.f32 v13, v11  }
0x1c2: {  	s1 =	sadd.s32 $0x40, s1;
	v10 =	vmul.f32 v12, v10;
	v7 =	vmul.f32 v8, v7  }
0x1c3: {  	[tilespmem:s1+$0x10] =	vst v63;
	v9 =	vmul.f32 v14, v9;
	v11 =	vmul.f32 v17, v11  }
0x1c4: {  	[tilespmem:s2+$0x0] =	vst v7;
	v8 =	vmul.f32 v18, v10  }
0x1c5: {  	s0 =	sadd.s32 $0x1, s0;
	[tilespmem:s1+$0xFFFFFFE0] =	vst v11;
	v7 =	vmul.f32 v62, v9  }
0x1c6: {  	p1 =	sne.s32 s0, s13;
	[tilespmem:s1+$0xFFFFFFF0] =	vst v8  }
.Ltmp4:
0x1c7: {  	[tilespmem:s1+$0x0] =	vst v7;
	(pc) =	sbr.rel @p1 .LBB2_1-.Ltmp4, $4  }
0x1c8: {  	[hbm4b:s12+s10] =	stream.linear.scatter [tilespmem:s7], [sflag:$0x9], $0x200, $0x38;
	[tilespmem:$0x10E0] =	vst v63  }
0x1c9: {  	_ =	swait.ge [sflag:s31], $0x200  }
0x1ca: {  	[sflag:s31] =	ssyncset.done $0x0  }
0x1cb: {  	[sflag:s31] =	ssyncadd.s32 $0xFFFFFE00  }
0x1cc: {  	_ =	sfence.sel $0x180000  }
0x1cd: {  	[bflag:$0x0] =	sbarrier.arrive $0xFFFF  }
0x1ce: {  	_ =	strace $0x90000047  }
0x1cf: {  	s0 =	stileid.u32;
	[bflag:$0x2] =	sbarrier.arrive $0xFFFF  }
0x1d0: {  	p0 =	sne.s32 s0, $0x0;
	s0 =	rddreg [dreg:$0xa]  }
0x1d1: {  	s0 =	sadd.s32 @!p0 $0x100000, s0  }
0x1d2: {  	[sflag:s0] =	ssyncadd.tile.s32 @!p0 $0x1;
	_ =	shalt  }
.Lfunc_end2:
_tile_overlayer_lowered:
.L_overlay_start_2:
0x1d3: {  	(tag) =	ssettag $0x2  }
0x1d4: {  	s0 =	rddreg [dreg:$0x0];
	s2 =	stileid.u32  }
0x1d5: {  	s1 =	rddreg [dreg:$0x1];
	p0 =	sne.s32 s2, $0x0  }
0x1d6: {  	s3 =	rddreg [dreg:$0x2];
	[bflag:$0x3] =	sbarrier.arrive $0xFFFF;
	s2 =	simm.s32 @!p0 $0x1C09  }
0x1d7: {  	[timem:s3], [sflag:s2] =	dma.local @!p0 [hbm:s0], s1  }
0x1d8: {  	s0 =	simm.s32 @!p0 $0x9  }
0x1d9: {  	_ =	swait.ge @!p0 [sflag:s0], s1  }
0x1da: {  	s1 =	ssub.s32 @!p0 $0x0, s1;
	[sflag:s0] =	ssyncset.done @!p0 $0x0  }
0x1db: {  	[sflag:s0] =	ssyncadd.s32 @!p0 s1  }
0x1dc: {  	[bflag:$0x3] =	sbarrier.arrive $0xFFFF  }
0x1dd: {  	_ =	shalt  }

</sc_bundles>
